<compile_context>
chip_gen: v7x
topology: tpu7x:2x2x1
jax: 0.10.2.dev20260603
libtpu: 0.0.44.dev20260713+nightly
codegen_flags: <defaults>
</compile_context>

<pallas_src>
import jax
import jax.numpy as jnp
from jax import lax
from jax.experimental import pallas as pl
from jax.experimental.pallas import tpu as pltpu
from jax.experimental.pallas import tpu_sc as plsc

BATCH = 16384
SEQ = 200
D = 64
V = 50
NC, NS = 2, 16
NW = NC * NS
NQ, NO = 2, 16
KQ = BATCH // NQ
DO = D // NO
L = 16


def _lookup_body(idxt_hbm, ttab_hbm, out_hbm,
                 ttab_v, idx0, idx1, stage0, stage1,
                 sem_t, sem_i0, sem_i1, sem_o0, sem_o1):
    wid = lax.axis_index("s") * NC + lax.axis_index("c")
    q = wid // NO
    o = wid % NO
    b0 = q * KQ
    d0 = o * DO
    lanes = lax.iota(jnp.int32, L)
    idx_v = (idx0, idx1)
    stage_v = (stage0, stage1)
    sem_i = (sem_i0, sem_i1)
    sem_o = (sem_o0, sem_o1)

    pltpu.async_copy(ttab_hbm, ttab_v, sem_t).wait()

    def start_idx(s, b):
        pltpu.async_copy(idxt_hbm.at[s, pl.ds(b0, KQ)], idx_v[b], sem_i[b])

    start_idx(0, 0)
    start_idx(1, 1)

    def outer(s2, carry):
        for b in range(2):
            s = 2 * s2 + b
            pltpu.make_async_copy(idxt_hbm.at[0, pl.ds(0, KQ)],
                                  idx_v[b], sem_i[b]).wait()

            @pl.when(s2 > 0)
            def _():
                pltpu.make_async_copy(
                    stage_v[b], out_hbm.at[0, pl.ds(0, DO), pl.ds(0, KQ)],
                    sem_o[b]).wait()

            @plsc.parallel_loop(0, KQ // L, unroll=4)
            def lane_group(t):
                v0 = plsc.load_gather(idx_v[b], [lanes + L * t]) + d0 * D
                for dd in range(DO):
                    stage_v[b][dd, pl.ds(L * t, L)] = plsc.load_gather(
                        ttab_v, [v0 + jnp.int32(dd * D)])

            @pl.when(s2 < SEQ // 2 - 1)
            def _():
                start_idx(s + 2, b)

            pltpu.async_copy(
                stage_v[b], out_hbm.at[s, pl.ds(d0, DO), pl.ds(b0, KQ)],
                sem_o[b])
        return carry

    lax.fori_loop(0, SEQ // 2, outer, 0)
    for b in range(2):
        pltpu.make_async_copy(stage_v[b],
                              out_hbm.at[0, pl.ds(0, DO), pl.ds(0, KQ)],
                              sem_o[b]).wait()


@jax.jit
def _lookup(pos_ids, table):
    idxt = pos_ids.T
    ttab_flat = jnp.pad(table, ((0, D - V), (0, 0))).T.reshape(D * D)

    mesh = plsc.VectorSubcoreMesh(
        core_axis_name="c", subcore_axis_name="s", num_cores=NC, num_subcores=NS
    )
    out_t = pl.kernel(
        _lookup_body,
        out_type=jax.ShapeDtypeStruct((SEQ, D, BATCH), jnp.float32),
        mesh=mesh,
        compiler_params=pltpu.CompilerParams(needs_layout_passes=False),
        scratch_types=[
            pltpu.VMEM((D * D,), jnp.float32),
            pltpu.VMEM((KQ,), jnp.int32),
            pltpu.VMEM((KQ,), jnp.int32),
            pltpu.VMEM((DO, KQ), jnp.float32),
            pltpu.VMEM((DO, KQ), jnp.float32),
        ] + [pltpu.SemaphoreType.DMA] * 5,
    )(idxt, ttab_flat)
    return out_t.transpose(2, 0, 1)


def kernel(pos_ids, table):
    return _lookup(pos_ids, table)

# --- scband reference (transcript-rebuilt; emitter-appended) ---
"""Pipeline reference for scband-posembedding-55138790146161 (READ-ONLY COPY).

The authoritative reference and input builder live on the scoring server;
editing this copy changes nothing except your own understanding.
"""

import jax, jax.numpy as jnp
import numpy as np

NUM_POS_TAGS = 50
EMBED_DIM = 64
BATCH = 16384
SEQ = 200

def setup_inputs(seed: int = 0) -> dict:
    key = jax.random.key(seed)
    k_idx, k_tab = jax.random.split(key)
    pos_ids = jax.random.randint(k_idx, (BATCH, SEQ), 0, NUM_POS_TAGS, dtype=jnp.int64 if jax.config.jax_enable_x64 else jnp.int32)
    table = jax.random.normal(k_tab, (NUM_POS_TAGS, EMBED_DIM), dtype=jnp.float32)
    return {"pos_ids": pos_ids, "table": table}

def reference(pos_ids, table):
    # nn.Embedding forward: gather rows of the table by index
    return jnp.take(table, pos_ids, axis=0)

if __name__ == "__main__":
    import jax
    _d = setup_inputs()
    print(jax.jit(kernel)(*tuple(_d.values())))

</pallas_src>

<mosaic_0001>
#map = affine_map<(d0, d1) -> (0, 0)>
#map1 = affine_map<(d0, d1) -> (0)>
#map2 = affine_map<(d0, d1) -> (0, 0, 0)>
module attributes {stable_mosaic.version = 14 : i64} {
  func.func @_lookup_body(%arg0: i32, %arg1: i32, %arg2: memref<200x16384xi32, #tpu.memory_space<hbm>>, %arg3: memref<4096xf32, #tpu.memory_space<hbm>>, %arg4: memref<200x64x16384xf32, #tpu.memory_space<hbm>>, %arg5: memref<4096xf32, #tpu.memory_space<vmem>>, %arg6: memref<8192xi32, #tpu.memory_space<vmem>>, %arg7: memref<8192xi32, #tpu.memory_space<vmem>>, %arg8: memref<4x8192xf32, #tpu.memory_space<vmem>>, %arg9: memref<4x8192xf32, #tpu.memory_space<vmem>>, %arg10: memref<!tpu.dma_semaphore, #tpu.memory_space<semaphore_mem>>, %arg11: memref<!tpu.dma_semaphore, #tpu.memory_space<semaphore_mem>>, %arg12: memref<!tpu.dma_semaphore, #tpu.memory_space<semaphore_mem>>, %arg13: memref<!tpu.dma_semaphore, #tpu.memory_space<semaphore_mem>>, %arg14: memref<!tpu.dma_semaphore, #tpu.memory_space<semaphore_mem>>) attributes {dimension_semantics = [#tpu.dimension_semantics<core_parallel>, #tpu.dimension_semantics<subcore_parallel>], iteration_bounds = array<i64: 2, 16>, scalar_prefetch = 0 : i64, scratch_operands = 10 : i64, tpu.core_type = #tpu.core_type<sc_vector_subcore>, window_params = [{transform_indices = #map}, {transform_indices = #map1}, {transform_indices = #map2}]} {
    %mul3A = arith.constant 2 : i32
    %mul3A_0 = arith.muli %arg1, %mul3A : i32
    %add3A = arith.addi %mul3A_0, %arg0 : i32
    %jit3A = arith.constant 16 : i32
    %div3A = arith.divsi %add3A, %jit3A : i32
    %sign3A = arith.constant 0 : i32
    %sign3A_1 = arith.cmpi sgt, %add3A, %sign3A : i32
    %sign3A_2 = arith.extui %sign3A_1 : i1 to i32
    %sign3A_3 = arith.constant 0 : i32
    %sign3A_4 = arith.cmpi slt, %add3A, %sign3A_3 : i32
    %sign3A_5 = arith.extui %sign3A_4 : i1 to i32
    %sign3A_6 = arith.subi %sign3A_2, %sign3A_5 : i32
    %sign3A_7 = arith.constant 0 : i32
    %sign3A_8 = arith.cmpi sgt, %jit3A, %sign3A_7 : i32
    %sign3A_9 = arith.extui %sign3A_8 : i1 to i32
    %sign3A_10 = arith.constant 0 : i32
    %sign3A_11 = arith.cmpi slt, %jit3A, %sign3A_10 : i32
    %sign3A_12 = arith.extui %sign3A_11 : i1 to i32
    %sign3A_13 = arith.subi %sign3A_9, %sign3A_12 : i32
    %ne3A = arith.cmpi ne, %sign3A_6, %sign3A_13 : i32
    %rem3A = arith.remsi %add3A, %jit3A : i32
    %ne3A_14 = arith.constant 0 : i32
    %ne3A_15 = arith.cmpi ne, %rem3A, %ne3A_14 : i32
    %and3A = arith.andi %ne3A, %ne3A_15 : i1
    %sub3A = arith.constant 1 : i32
    %sub3A_16 = arith.subi %div3A, %sub3A : i32
    %select_n3A = arith.select %and3A, %sub3A_16, %div3A : i32
    %jit3A_17 = arith.constant 16 : i32
    %eq3A = arith.constant 0 : i32
    %eq3A_18 = arith.cmpi eq, %jit3A_17, %eq3A : i32
    %jit3A_19 = arith.constant 1 : i32
    %select_n3A_20 = arith.select %eq3A_18, %jit3A_19, %jit3A_17 : i32
    %rem3A_21 = arith.remsi %add3A, %select_n3A_20 : i32
    %ne3A_22 = arith.constant 0 : i32
    %ne3A_23 = arith.cmpi ne, %rem3A_21, %ne3A_22 : i32
    %lt3A = arith.constant 0 : i32
    %lt3A_24 = arith.cmpi slt, %rem3A_21, %lt3A : i32
    %lt3A_25 = arith.constant 0 : i32
    %lt3A_26 = arith.cmpi slt, %select_n3A_20, %lt3A_25 : i32
    %ne3A_27 = arith.xori %lt3A_24, %lt3A_26 : i1
    %and3A_28 = arith.andi %ne3A_27, %ne3A_23 : i1
    %add3A_29 = arith.addi %rem3A_21, %select_n3A_20 : i32
    %select_n3A_30 = arith.select %and3A_28, %add3A_29, %rem3A_21 : i32
    %mul3A_31 = arith.constant 8192 : i32
    %mul3A_32 = arith.muli %select_n3A, %mul3A_31 : i32
    %mul3A_33 = arith.constant 4 : i32
    %mul3A_34 = arith.muli %select_n3A_30, %mul3A_33 : i32
    %iota3A = tpu.iota {dimensions = array<i32: 0>} : vector<16xi32>
    tpu.enqueue_dma source(%arg3 : memref<4096xf32, #tpu.memory_space<hbm>>) target(%arg5 : memref<4096xf32, #tpu.memory_space<vmem>>) target_semaphore(%arg10 : memref<!tpu.dma_semaphore, #tpu.memory_space<semaphore_mem>>)
    tpu.wait_dma2 semaphore(%arg10 : memref<!tpu.dma_semaphore, #tpu.memory_space<semaphore_mem>>) src(%arg3 : memref<4096xf32, #tpu.memory_space<hbm>>) dst(%arg5 : memref<4096xf32, #tpu.memory_space<vmem>>)
    %dma_start3A = arith.constant 0 : i32
    %dma_start3A_35 = tpu.memref_slice %arg2[%dma_start3A, %mul3A_32] : memref<200x16384xi32, #tpu.memory_space<hbm>> -> memref<1x8192xi32, #tpu.memory_space<hbm>>
    %dma_start3A_36 = tpu.memref_squeeze %dma_start3A_35 : memref<1x8192xi32, #tpu.memory_space<hbm>> -> memref<8192xi32, #tpu.memory_space<hbm>>
    %dma_start3A_37 = tpu.memref_slice %arg2[%dma_start3A, %mul3A_32] : memref<200x16384xi32, #tpu.memory_space<hbm>> -> memref<1x8192xi32, #tpu.memory_space<hbm>>
    %dma_start3A_38 = tpu.memref_squeeze %dma_start3A_37 : memref<1x8192xi32, #tpu.memory_space<hbm>> -> memref<8192xi32, #tpu.memory_space<hbm>>
    tpu.enqueue_dma source(%dma_start3A_38 : memref<8192xi32, #tpu.memory_space<hbm>>) target(%arg6 : memref<8192xi32, #tpu.memory_space<vmem>>) target_semaphore(%arg11 : memref<!tpu.dma_semaphore, #tpu.memory_space<semaphore_mem>>)
    %dma_start3A_39 = arith.constant 1 : i32
    %dma_start3A_40 = tpu.memref_slice %arg2[%dma_start3A_39, %mul3A_32] : memref<200x16384xi32, #tpu.memory_space<hbm>> -> memref<1x8192xi32, #tpu.memory_space<hbm>>
    %dma_start3A_41 = tpu.memref_squeeze %dma_start3A_40 : memref<1x8192xi32, #tpu.memory_space<hbm>> -> memref<8192xi32, #tpu.memory_space<hbm>>
    %dma_start3A_42 = tpu.memref_slice %arg2[%dma_start3A_39, %mul3A_32] : memref<200x16384xi32, #tpu.memory_space<hbm>> -> memref<1x8192xi32, #tpu.memory_space<hbm>>
    %dma_start3A_43 = tpu.memref_squeeze %dma_start3A_42 : memref<1x8192xi32, #tpu.memory_space<hbm>> -> memref<8192xi32, #tpu.memory_space<hbm>>
    tpu.enqueue_dma source(%dma_start3A_43 : memref<8192xi32, #tpu.memory_space<hbm>>) target(%arg7 : memref<8192xi32, #tpu.memory_space<vmem>>) target_semaphore(%arg12 : memref<!tpu.dma_semaphore, #tpu.memory_space<semaphore_mem>>)
    %scan3A = arith.constant 0 : i32
    %scan3A_44 = arith.constant 0 : i32
    %scan3A_45 = arith.constant 100 : i32
    %scan3A_46 = arith.addi %scan3A_44, %scan3A_45 : i32
    %scan3A_47 = arith.constant 1 : i32
    scf.for %scan3A_66 = %scan3A_44 to %scan3A_46 step %scan3A_47  : i32 {
      %mul3A_67 = arith.constant 2 : i32
      %mul3A_68 = arith.muli %mul3A_67, %scan3A_66 : i32
      %add3A_69 = arith.constant 0 : i32
      %add3A_70 = arith.addi %mul3A_68, %add3A_69 : i32
      %dma_wait3A_71 = arith.constant 0 : i32
      %dma_wait3A_72 = arith.constant 0 : i32
      %dma_wait3A_73 = tpu.memref_slice %arg2[%dma_wait3A_71, %dma_wait3A_72] : memref<200x16384xi32, #tpu.memory_space<hbm>> -> memref<1x8192xi32, #tpu.memory_space<hbm>>
      %dma_wait3A_74 = tpu.memref_squeeze %dma_wait3A_73 : memref<1x8192xi32, #tpu.memory_space<hbm>> -> memref<8192xi32, #tpu.memory_space<hbm>>
      %dma_wait3A_75 = arith.constant 0 : i32
      %dma_wait3A_76 = tpu.memref_slice %arg2[%dma_wait3A_71, %dma_wait3A_75] : memref<200x16384xi32, #tpu.memory_space<hbm>> -> memref<1x8192xi32, #tpu.memory_space<hbm>>
      %dma_wait3A_77 = tpu.memref_squeeze %dma_wait3A_76 : memref<1x8192xi32, #tpu.memory_space<hbm>> -> memref<8192xi32, #tpu.memory_space<hbm>>
      tpu.wait_dma2 semaphore(%arg11 : memref<!tpu.dma_semaphore, #tpu.memory_space<semaphore_mem>>) src(%dma_wait3A_77 : memref<8192xi32, #tpu.memory_space<hbm>>) dst(%arg6 : memref<8192xi32, #tpu.memory_space<vmem>>)
      %gt3A = arith.constant 0 : i32
      %gt3A_78 = arith.cmpi sgt, %scan3A_66, %gt3A : i32
      %convert_element_type3A = arith.extui %gt3A_78 : i1 to i32
      %cond3A = arith.constant 0 : i32
      %cond3A_79 = arith.cmpi ne, %convert_element_type3A, %cond3A : i32
      scf.if %cond3A_79 {
        %dma_wait3A_119 = arith.constant 0 : i32
        %dma_wait3A_120 = arith.constant 0 : i32
        %dma_wait3A_121 = arith.constant 0 : i32
        %dma_wait3A_122 = tpu.memref_slice %arg4[%dma_wait3A_119, %dma_wait3A_120, %dma_wait3A_121] : memref<200x64x16384xf32, #tpu.memory_space<hbm>> -> memref<1x4x8192xf32, #tpu.memory_space<hbm>>
        %dma_wait3A_123 = tpu.memref_squeeze %dma_wait3A_122 : memref<1x4x8192xf32, #tpu.memory_space<hbm>> -> memref<4x8192xf32, #tpu.memory_space<hbm>>
        %dma_wait3A_124 = arith.constant 0 : i32
        %dma_wait3A_125 = arith.constant 0 : i32
        %dma_wait3A_126 = tpu.memref_slice %arg4[%dma_wait3A_119, %dma_wait3A_124, %dma_wait3A_125] : memref<200x64x16384xf32, #tpu.memory_space<hbm>> -> memref<1x4x8192xf32, #tpu.memory_space<hbm>>
        %dma_wait3A_127 = tpu.memref_squeeze %dma_wait3A_126 : memref<1x4x8192xf32, #tpu.memory_space<hbm>> -> memref<4x8192xf32, #tpu.memory_space<hbm>>
        tpu.wait_dma2 semaphore(%arg13 : memref<!tpu.dma_semaphore, #tpu.memory_space<semaphore_mem>>) src(%arg8 : memref<4x8192xf32, #tpu.memory_space<vmem>>) dst(%dma_wait3A_127 : memref<4x8192xf32, #tpu.memory_space<hbm>>)
      } else {
      }
      %parallel_loop3A = arith.constant 0 : i32
      %parallel_loop3A_80 = arith.constant 512 : i32
      %parallel_loop3A_81 = arith.constant 1 : i32
      scf.for %parallel_loop3A_119 = %parallel_loop3A to %parallel_loop3A_80 step %parallel_loop3A_81  : i32 {
        %parallel_loop3A_120 = arith.constant 16 : i32
        %parallel_loop3A_121 = arith.muli %parallel_loop3A_120, %parallel_loop3A_119 : i32
        %parallel_loop3A_122 = vector.broadcast %parallel_loop3A_121 : i32 to vector<16xi32>
        %parallel_loop3A_123 = arith.addi %iota3A, %parallel_loop3A_122 : vector<16xi32>
        %parallel_loop3A_124 = tpu.vector_load_idx %arg6[%parallel_loop3A_123] : memref<8192xi32, #tpu.memory_space<vmem>>[vector<16xi32>], vector<16xi32>,
        %parallel_loop3A_125 = arith.constant 64 : i32
        %parallel_loop3A_126 = arith.muli %mul3A_34, %parallel_loop3A_125 : i32
        %parallel_loop3A_127 = vector.broadcast %parallel_loop3A_126 : i32 to vector<16xi32>
        %parallel_loop3A_128 = arith.addi %parallel_loop3A_124, %parallel_loop3A_127 : vector<16xi32>
        %parallel_loop3A_129 = arith.constant 0 : i32
        %parallel_loop3A_130 = vector.broadcast %parallel_loop3A_129 : i32 to vector<16xi32>
        %parallel_loop3A_131 = arith.addi %parallel_loop3A_128, %parallel_loop3A_130 : vector<16xi32>
        %parallel_loop3A_132 = tpu.vector_load_idx %arg5[%parallel_loop3A_131] : memref<4096xf32, #tpu.memory_space<vmem>>[vector<16xi32>], vector<16xf32>,
        %parallel_loop3A_133 = arith.constant 16 : i32
        %parallel_loop3A_134 = arith.muli %parallel_loop3A_133, %parallel_loop3A_119 : i32
        %parallel_loop3A_135 = arith.constant 0 : i32
        %parallel_loop3A_136 = arith.index_cast %parallel_loop3A_135 : i32 to index
        %parallel_loop3A_137 = arith.index_cast %parallel_loop3A_134 : i32 to index
        %parallel_loop3A_138 = tpu.vector_load %arg8[%parallel_loop3A_136, %parallel_loop3A_137] {strides = array<i32>} : memref<4x8192xf32, #tpu.memory_space<vmem>>, vector<16xf32>,
        tpu.vector_store %arg8[%parallel_loop3A_136, %parallel_loop3A_137], %parallel_loop3A_132 {strides = array<i32>} : memref<4x8192xf32, #tpu.memory_space<vmem>>, vector<16xf32>,
        %parallel_loop3A_139 = arith.constant 64 : i32
        %parallel_loop3A_140 = vector.broadcast %parallel_loop3A_139 : i32 to vector<16xi32>
        %parallel_loop3A_141 = arith.addi %parallel_loop3A_128, %parallel_loop3A_140 : vector<16xi32>
        %parallel_loop3A_142 = tpu.vector_load_idx %arg5[%parallel_loop3A_141] : memref<4096xf32, #tpu.memory_space<vmem>>[vector<16xi32>], vector<16xf32>,
        %parallel_loop3A_143 = arith.constant 16 : i32
        %parallel_loop3A_144 = arith.muli %parallel_loop3A_143, %parallel_loop3A_119 : i32
        %parallel_loop3A_145 = arith.constant 1 : i32
        %parallel_loop3A_146 = arith.index_cast %parallel_loop3A_145 : i32 to index
        %parallel_loop3A_147 = arith.index_cast %parallel_loop3A_144 : i32 to index
        %parallel_loop3A_148 = tpu.vector_load %arg8[%parallel_loop3A_146, %parallel_loop3A_147] {strides = array<i32>} : memref<4x8192xf32, #tpu.memory_space<vmem>>, vector<16xf32>,
        tpu.vector_store %arg8[%parallel_loop3A_146, %parallel_loop3A_147], %parallel_loop3A_142 {strides = array<i32>} : memref<4x8192xf32, #tpu.memory_space<vmem>>, vector<16xf32>,
        %parallel_loop3A_149 = arith.constant 128 : i32
        %parallel_loop3A_150 = vector.broadcast %parallel_loop3A_149 : i32 to vector<16xi32>
        %parallel_loop3A_151 = arith.addi %parallel_loop3A_128, %parallel_loop3A_150 : vector<16xi32>
        %parallel_loop3A_152 = tpu.vector_load_idx %arg5[%parallel_loop3A_151] : memref<4096xf32, #tpu.memory_space<vmem>>[vector<16xi32>], vector<16xf32>,
        %parallel_loop3A_153 = arith.constant 16 : i32
        %parallel_loop3A_154 = arith.muli %parallel_loop3A_153, %parallel_loop3A_119 : i32
        %parallel_loop3A_155 = arith.constant 2 : i32
        %parallel_loop3A_156 = arith.index_cast %parallel_loop3A_155 : i32 to index
        %parallel_loop3A_157 = arith.index_cast %parallel_loop3A_154 : i32 to index
        %parallel_loop3A_158 = tpu.vector_load %arg8[%parallel_loop3A_156, %parallel_loop3A_157] {strides = array<i32>} : memref<4x8192xf32, #tpu.memory_space<vmem>>, vector<16xf32>,
        tpu.vector_store %arg8[%parallel_loop3A_156, %parallel_loop3A_157], %parallel_loop3A_152 {strides = array<i32>} : memref<4x8192xf32, #tpu.memory_space<vmem>>, vector<16xf32>,
        %parallel_loop3A_159 = arith.constant 192 : i32
        %parallel_loop3A_160 = vector.broadcast %parallel_loop3A_159 : i32 to vector<16xi32>
        %parallel_loop3A_161 = arith.addi %parallel_loop3A_128, %parallel_loop3A_160 : vector<16xi32>
        %parallel_loop3A_162 = tpu.vector_load_idx %arg5[%parallel_loop3A_161] : memref<4096xf32, #tpu.memory_space<vmem>>[vector<16xi32>], vector<16xf32>,
        %parallel_loop3A_163 = arith.constant 16 : i32
        %parallel_loop3A_164 = arith.muli %parallel_loop3A_163, %parallel_loop3A_119 : i32
        %parallel_loop3A_165 = arith.constant 3 : i32
        %parallel_loop3A_166 = arith.index_cast %parallel_loop3A_165 : i32 to index
        %parallel_loop3A_167 = arith.index_cast %parallel_loop3A_164 : i32 to index
        %parallel_loop3A_168 = tpu.vector_load %arg8[%parallel_loop3A_166, %parallel_loop3A_167] {strides = array<i32>} : memref<4x8192xf32, #tpu.memory_space<vmem>>, vector<16xf32>,
        tpu.vector_store %arg8[%parallel_loop3A_166, %parallel_loop3A_167], %parallel_loop3A_162 {strides = array<i32>} : memref<4x8192xf32, #tpu.memory_space<vmem>>, vector<16xf32>,
      } {sc.loop_unroll_factor = 4 : i64, sc.parallel_access}
      %lt3A_82 = arith.constant 99 : i32
      %lt3A_83 = arith.cmpi slt, %scan3A_66, %lt3A_82 : i32
      %convert_element_type3A_84 = arith.extui %lt3A_83 : i1 to i32
      %cond3A_85 = arith.constant 0 : i32
      %cond3A_86 = arith.cmpi ne, %convert_element_type3A_84, %cond3A_85 : i32
      scf.if %cond3A_86 {
        %add3A_119 = arith.constant 2 : i32
        %add3A_120 = arith.addi %add3A_70, %add3A_119 : i32
        %dma_start3A_121 = tpu.memref_slice %arg2[%add3A_120, %mul3A_32] : memref<200x16384xi32, #tpu.memory_space<hbm>> -> memref<1x8192xi32, #tpu.memory_space<hbm>>
        %dma_start3A_122 = tpu.memref_squeeze %dma_start3A_121 : memref<1x8192xi32, #tpu.memory_space<hbm>> -> memref<8192xi32, #tpu.memory_space<hbm>>
        %dma_start3A_123 = tpu.memref_slice %arg2[%add3A_120, %mul3A_32] : memref<200x16384xi32, #tpu.memory_space<hbm>> -> memref<1x8192xi32, #tpu.memory_space<hbm>>
        %dma_start3A_124 = tpu.memref_squeeze %dma_start3A_123 : memref<1x8192xi32, #tpu.memory_space<hbm>> -> memref<8192xi32, #tpu.memory_space<hbm>>
        tpu.enqueue_dma source(%dma_start3A_124 : memref<8192xi32, #tpu.memory_space<hbm>>) target(%arg6 : memref<8192xi32, #tpu.memory_space<vmem>>) target_semaphore(%arg11 : memref<!tpu.dma_semaphore, #tpu.memory_space<semaphore_mem>>)
      } else {
      }
      %dma_start3A_87 = tpu.memref_slice %arg4[%add3A_70, %mul3A_34, %mul3A_32] : memref<200x64x16384xf32, #tpu.memory_space<hbm>> -> memref<1x4x8192xf32, #tpu.memory_space<hbm>>
      %dma_start3A_88 = tpu.memref_squeeze %dma_start3A_87 : memref<1x4x8192xf32, #tpu.memory_space<hbm>> -> memref<4x8192xf32, #tpu.memory_space<hbm>>
      %dma_start3A_89 = tpu.memref_slice %arg4[%add3A_70, %mul3A_34, %mul3A_32] : memref<200x64x16384xf32, #tpu.memory_space<hbm>> -> memref<1x4x8192xf32, #tpu.memory_space<hbm>>
      %dma_start3A_90 = tpu.memref_squeeze %dma_start3A_89 : memref<1x4x8192xf32, #tpu.memory_space<hbm>> -> memref<4x8192xf32, #tpu.memory_space<hbm>>
      tpu.enqueue_dma source(%arg8 : memref<4x8192xf32, #tpu.memory_space<vmem>>) target(%dma_start3A_90 : memref<4x8192xf32, #tpu.memory_space<hbm>>) target_semaphore(%arg13 : memref<!tpu.dma_semaphore, #tpu.memory_space<semaphore_mem>>)
      %mul3A_91 = arith.constant 2 : i32
      %mul3A_92 = arith.muli %mul3A_91, %scan3A_66 : i32
      %add3A_93 = arith.constant 1 : i32
      %add3A_94 = arith.addi %mul3A_92, %add3A_93 : i32
      %dma_wait3A_95 = arith.constant 0 : i32
      %dma_wait3A_96 = arith.constant 0 : i32
      %dma_wait3A_97 = tpu.memref_slice %arg2[%dma_wait3A_95, %dma_wait3A_96] : memref<200x16384xi32, #tpu.memory_space<hbm>> -> memref<1x8192xi32, #tpu.memory_space<hbm>>
      %dma_wait3A_98 = tpu.memref_squeeze %dma_wait3A_97 : memref<1x8192xi32, #tpu.memory_space<hbm>> -> memref<8192xi32, #tpu.memory_space<hbm>>
      %dma_wait3A_99 = arith.constant 0 : i32
      %dma_wait3A_100 = tpu.memref_slice %arg2[%dma_wait3A_95, %dma_wait3A_99] : memref<200x16384xi32, #tpu.memory_space<hbm>> -> memref<1x8192xi32, #tpu.memory_space<hbm>>
      %dma_wait3A_101 = tpu.memref_squeeze %dma_wait3A_100 : memref<1x8192xi32, #tpu.memory_space<hbm>> -> memref<8192xi32, #tpu.memory_space<hbm>>
      tpu.wait_dma2 semaphore(%arg12 : memref<!tpu.dma_semaphore, #tpu.memory_space<semaphore_mem>>) src(%dma_wait3A_101 : memref<8192xi32, #tpu.memory_space<hbm>>) dst(%arg7 : memref<8192xi32, #tpu.memory_space<vmem>>)
      %gt3A_102 = arith.constant 0 : i32
      %gt3A_103 = arith.cmpi sgt, %scan3A_66, %gt3A_102 : i32
      %convert_element_type3A_104 = arith.extui %gt3A_103 : i1 to i32
      %cond3A_105 = arith.constant 0 : i32
      %cond3A_106 = arith.cmpi ne, %convert_element_type3A_104, %cond3A_105 : i32
      scf.if %cond3A_106 {
        %dma_wait3A_119 = arith.constant 0 : i32
        %dma_wait3A_120 = arith.constant 0 : i32
        %dma_wait3A_121 = arith.constant 0 : i32
        %dma_wait3A_122 = tpu.memref_slice %arg4[%dma_wait3A_119, %dma_wait3A_120, %dma_wait3A_121] : memref<200x64x16384xf32, #tpu.memory_space<hbm>> -> memref<1x4x8192xf32, #tpu.memory_space<hbm>>
        %dma_wait3A_123 = tpu.memref_squeeze %dma_wait3A_122 : memref<1x4x8192xf32, #tpu.memory_space<hbm>> -> memref<4x8192xf32, #tpu.memory_space<hbm>>
        %dma_wait3A_124 = arith.constant 0 : i32
        %dma_wait3A_125 = arith.constant 0 : i32
        %dma_wait3A_126 = tpu.memref_slice %arg4[%dma_wait3A_119, %dma_wait3A_124, %dma_wait3A_125] : memref<200x64x16384xf32, #tpu.memory_space<hbm>> -> memref<1x4x8192xf32, #tpu.memory_space<hbm>>
        %dma_wait3A_127 = tpu.memref_squeeze %dma_wait3A_126 : memref<1x4x8192xf32, #tpu.memory_space<hbm>> -> memref<4x8192xf32, #tpu.memory_space<hbm>>
        tpu.wait_dma2 semaphore(%arg14 : memref<!tpu.dma_semaphore, #tpu.memory_space<semaphore_mem>>) src(%arg9 : memref<4x8192xf32, #tpu.memory_space<vmem>>) dst(%dma_wait3A_127 : memref<4x8192xf32, #tpu.memory_space<hbm>>)
      } else {
      }
      %parallel_loop3A_107 = arith.constant 0 : i32
      %parallel_loop3A_108 = arith.constant 512 : i32
      %parallel_loop3A_109 = arith.constant 1 : i32
      scf.for %parallel_loop3A_119 = %parallel_loop3A_107 to %parallel_loop3A_108 step %parallel_loop3A_109  : i32 {
        %parallel_loop3A_120 = arith.constant 16 : i32
        %parallel_loop3A_121 = arith.muli %parallel_loop3A_120, %parallel_loop3A_119 : i32
        %parallel_loop3A_122 = vector.broadcast %parallel_loop3A_121 : i32 to vector<16xi32>
        %parallel_loop3A_123 = arith.addi %iota3A, %parallel_loop3A_122 : vector<16xi32>
        %parallel_loop3A_124 = tpu.vector_load_idx %arg7[%parallel_loop3A_123] : memref<8192xi32, #tpu.memory_space<vmem>>[vector<16xi32>], vector<16xi32>,
        %parallel_loop3A_125 = arith.constant 64 : i32
        %parallel_loop3A_126 = arith.muli %mul3A_34, %parallel_loop3A_125 : i32
        %parallel_loop3A_127 = vector.broadcast %parallel_loop3A_126 : i32 to vector<16xi32>
        %parallel_loop3A_128 = arith.addi %parallel_loop3A_124, %parallel_loop3A_127 : vector<16xi32>
        %parallel_loop3A_129 = arith.constant 0 : i32
        %parallel_loop3A_130 = vector.broadcast %parallel_loop3A_129 : i32 to vector<16xi32>
        %parallel_loop3A_131 = arith.addi %parallel_loop3A_128, %parallel_loop3A_130 : vector<16xi32>
        %parallel_loop3A_132 = tpu.vector_load_idx %arg5[%parallel_loop3A_131] : memref<4096xf32, #tpu.memory_space<vmem>>[vector<16xi32>], vector<16xf32>,
        %parallel_loop3A_133 = arith.constant 16 : i32
        %parallel_loop3A_134 = arith.muli %parallel_loop3A_133, %parallel_loop3A_119 : i32
        %parallel_loop3A_135 = arith.constant 0 : i32
        %parallel_loop3A_136 = arith.index_cast %parallel_loop3A_135 : i32 to index
        %parallel_loop3A_137 = arith.index_cast %parallel_loop3A_134 : i32 to index
        %parallel_loop3A_138 = tpu.vector_load %arg9[%parallel_loop3A_136, %parallel_loop3A_137] {strides = array<i32>} : memref<4x8192xf32, #tpu.memory_space<vmem>>, vector<16xf32>,
        tpu.vector_store %arg9[%parallel_loop3A_136, %parallel_loop3A_137], %parallel_loop3A_132 {strides = array<i32>} : memref<4x8192xf32, #tpu.memory_space<vmem>>, vector<16xf32>,
        %parallel_loop3A_139 = arith.constant 64 : i32
        %parallel_loop3A_140 = vector.broadcast %parallel_loop3A_139 : i32 to vector<16xi32>
        %parallel_loop3A_141 = arith.addi %parallel_loop3A_128, %parallel_loop3A_140 : vector<16xi32>
        %parallel_loop3A_142 = tpu.vector_load_idx %arg5[%parallel_loop3A_141] : memref<4096xf32, #tpu.memory_space<vmem>>[vector<16xi32>], vector<16xf32>,
        %parallel_loop3A_143 = arith.constant 16 : i32
        %parallel_loop3A_144 = arith.muli %parallel_loop3A_143, %parallel_loop3A_119 : i32
        %parallel_loop3A_145 = arith.constant 1 : i32
        %parallel_loop3A_146 = arith.index_cast %parallel_loop3A_145 : i32 to index
        %parallel_loop3A_147 = arith.index_cast %parallel_loop3A_144 : i32 to index
        %parallel_loop3A_148 = tpu.vector_load %arg9[%parallel_loop3A_146, %parallel_loop3A_147] {strides = array<i32>} : memref<4x8192xf32, #tpu.memory_space<vmem>>, vector<16xf32>,
        tpu.vector_store %arg9[%parallel_loop3A_146, %parallel_loop3A_147], %parallel_loop3A_142 {strides = array<i32>} : memref<4x8192xf32, #tpu.memory_space<vmem>>, vector<16xf32>,
        %parallel_loop3A_149 = arith.constant 128 : i32
        %parallel_loop3A_150 = vector.broadcast %parallel_loop3A_149 : i32 to vector<16xi32>
        %parallel_loop3A_151 = arith.addi %parallel_loop3A_128, %parallel_loop3A_150 : vector<16xi32>
        %parallel_loop3A_152 = tpu.vector_load_idx %arg5[%parallel_loop3A_151] : memref<4096xf32, #tpu.memory_space<vmem>>[vector<16xi32>], vector<16xf32>,
        %parallel_loop3A_153 = arith.constant 16 : i32
        %parallel_loop3A_154 = arith.muli %parallel_loop3A_153, %parallel_loop3A_119 : i32
        %parallel_loop3A_155 = arith.constant 2 : i32
        %parallel_loop3A_156 = arith.index_cast %parallel_loop3A_155 : i32 to index
        %parallel_loop3A_157 = arith.index_cast %parallel_loop3A_154 : i32 to index
        %parallel_loop3A_158 = tpu.vector_load %arg9[%parallel_loop3A_156, %parallel_loop3A_157] {strides = array<i32>} : memref<4x8192xf32, #tpu.memory_space<vmem>>, vector<16xf32>,
        tpu.vector_store %arg9[%parallel_loop3A_156, %parallel_loop3A_157], %parallel_loop3A_152 {strides = array<i32>} : memref<4x8192xf32, #tpu.memory_space<vmem>>, vector<16xf32>,
        %parallel_loop3A_159 = arith.constant 192 : i32
        %parallel_loop3A_160 = vector.broadcast %parallel_loop3A_159 : i32 to vector<16xi32>
        %parallel_loop3A_161 = arith.addi %parallel_loop3A_128, %parallel_loop3A_160 : vector<16xi32>
        %parallel_loop3A_162 = tpu.vector_load_idx %arg5[%parallel_loop3A_161] : memref<4096xf32, #tpu.memory_space<vmem>>[vector<16xi32>], vector<16xf32>,
        %parallel_loop3A_163 = arith.constant 16 : i32
        %parallel_loop3A_164 = arith.muli %parallel_loop3A_163, %parallel_loop3A_119 : i32
        %parallel_loop3A_165 = arith.constant 3 : i32
        %parallel_loop3A_166 = arith.index_cast %parallel_loop3A_165 : i32 to index
        %parallel_loop3A_167 = arith.index_cast %parallel_loop3A_164 : i32 to index
        %parallel_loop3A_168 = tpu.vector_load %arg9[%parallel_loop3A_166, %parallel_loop3A_167] {strides = array<i32>} : memref<4x8192xf32, #tpu.memory_space<vmem>>, vector<16xf32>,
        tpu.vector_store %arg9[%parallel_loop3A_166, %parallel_loop3A_167], %parallel_loop3A_162 {strides = array<i32>} : memref<4x8192xf32, #tpu.memory_space<vmem>>, vector<16xf32>,
      } {sc.loop_unroll_factor = 4 : i64, sc.parallel_access}
      %lt3A_110 = arith.constant 99 : i32
      %lt3A_111 = arith.cmpi slt, %scan3A_66, %lt3A_110 : i32
      %convert_element_type3A_112 = arith.extui %lt3A_111 : i1 to i32
      %cond3A_113 = arith.constant 0 : i32
      %cond3A_114 = arith.cmpi ne, %convert_element_type3A_112, %cond3A_113 : i32
      scf.if %cond3A_114 {
        %add3A_119 = arith.constant 2 : i32
        %add3A_120 = arith.addi %add3A_94, %add3A_119 : i32
        %dma_start3A_121 = tpu.memref_slice %arg2[%add3A_120, %mul3A_32] : memref<200x16384xi32, #tpu.memory_space<hbm>> -> memref<1x8192xi32, #tpu.memory_space<hbm>>
        %dma_start3A_122 = tpu.memref_squeeze %dma_start3A_121 : memref<1x8192xi32, #tpu.memory_space<hbm>> -> memref<8192xi32, #tpu.memory_space<hbm>>
        %dma_start3A_123 = tpu.memref_slice %arg2[%add3A_120, %mul3A_32] : memref<200x16384xi32, #tpu.memory_space<hbm>> -> memref<1x8192xi32, #tpu.memory_space<hbm>>
        %dma_start3A_124 = tpu.memref_squeeze %dma_start3A_123 : memref<1x8192xi32, #tpu.memory_space<hbm>> -> memref<8192xi32, #tpu.memory_space<hbm>>
        tpu.enqueue_dma source(%dma_start3A_124 : memref<8192xi32, #tpu.memory_space<hbm>>) target(%arg7 : memref<8192xi32, #tpu.memory_space<vmem>>) target_semaphore(%arg12 : memref<!tpu.dma_semaphore, #tpu.memory_space<semaphore_mem>>)
      } else {
      }
      %dma_start3A_115 = tpu.memref_slice %arg4[%add3A_94, %mul3A_34, %mul3A_32] : memref<200x64x16384xf32, #tpu.memory_space<hbm>> -> memref<1x4x8192xf32, #tpu.memory_space<hbm>>
      %dma_start3A_116 = tpu.memref_squeeze %dma_start3A_115 : memref<1x4x8192xf32, #tpu.memory_space<hbm>> -> memref<4x8192xf32, #tpu.memory_space<hbm>>
      %dma_start3A_117 = tpu.memref_slice %arg4[%add3A_94, %mul3A_34, %mul3A_32] : memref<200x64x16384xf32, #tpu.memory_space<hbm>> -> memref<1x4x8192xf32, #tpu.memory_space<hbm>>
      %dma_start3A_118 = tpu.memref_squeeze %dma_start3A_117 : memref<1x4x8192xf32, #tpu.memory_space<hbm>> -> memref<4x8192xf32, #tpu.memory_space<hbm>>
      tpu.enqueue_dma source(%arg9 : memref<4x8192xf32, #tpu.memory_space<vmem>>) target(%dma_start3A_118 : memref<4x8192xf32, #tpu.memory_space<hbm>>) target_semaphore(%arg14 : memref<!tpu.dma_semaphore, #tpu.memory_space<semaphore_mem>>)
    }
    %scan3A_48 = arith.constant 100 : i32
    %dma_wait3A = arith.constant 0 : i32
    %dma_wait3A_49 = arith.constant 0 : i32
    %dma_wait3A_50 = arith.constant 0 : i32
    %dma_wait3A_51 = tpu.memref_slice %arg4[%dma_wait3A, %dma_wait3A_49, %dma_wait3A_50] : memref<200x64x16384xf32, #tpu.memory_space<hbm>> -> memref<1x4x8192xf32, #tpu.memory_space<hbm>>
    %dma_wait3A_52 = tpu.memref_squeeze %dma_wait3A_51 : memref<1x4x8192xf32, #tpu.memory_space<hbm>> -> memref<4x8192xf32, #tpu.memory_space<hbm>>
    %dma_wait3A_53 = arith.constant 0 : i32
    %dma_wait3A_54 = arith.constant 0 : i32
    %dma_wait3A_55 = tpu.memref_slice %arg4[%dma_wait3A, %dma_wait3A_53, %dma_wait3A_54] : memref<200x64x16384xf32, #tpu.memory_space<hbm>> -> memref<1x4x8192xf32, #tpu.memory_space<hbm>>
    %dma_wait3A_56 = tpu.memref_squeeze %dma_wait3A_55 : memref<1x4x8192xf32, #tpu.memory_space<hbm>> -> memref<4x8192xf32, #tpu.memory_space<hbm>>
    tpu.wait_dma2 semaphore(%arg13 : memref<!tpu.dma_semaphore, #tpu.memory_space<semaphore_mem>>) src(%arg8 : memref<4x8192xf32, #tpu.memory_space<vmem>>) dst(%dma_wait3A_56 : memref<4x8192xf32, #tpu.memory_space<hbm>>)
    %dma_wait3A_57 = arith.constant 0 : i32
    %dma_wait3A_58 = arith.constant 0 : i32
    %dma_wait3A_59 = arith.constant 0 : i32
    %dma_wait3A_60 = tpu.memref_slice %arg4[%dma_wait3A_57, %dma_wait3A_58, %dma_wait3A_59] : memref<200x64x16384xf32, #tpu.memory_space<hbm>> -> memref<1x4x8192xf32, #tpu.memory_space<hbm>>
    %dma_wait3A_61 = tpu.memref_squeeze %dma_wait3A_60 : memref<1x4x8192xf32, #tpu.memory_space<hbm>> -> memref<4x8192xf32, #tpu.memory_space<hbm>>
    %dma_wait3A_62 = arith.constant 0 : i32
    %dma_wait3A_63 = arith.constant 0 : i32
    %dma_wait3A_64 = tpu.memref_slice %arg4[%dma_wait3A_57, %dma_wait3A_62, %dma_wait3A_63] : memref<200x64x16384xf32, #tpu.memory_space<hbm>> -> memref<1x4x8192xf32, #tpu.memory_space<hbm>>
    %dma_wait3A_65 = tpu.memref_squeeze %dma_wait3A_64 : memref<1x4x8192xf32, #tpu.memory_space<hbm>> -> memref<4x8192xf32, #tpu.memory_space<hbm>>
    tpu.wait_dma2 semaphore(%arg14 : memref<!tpu.dma_semaphore, #tpu.memory_space<semaphore_mem>>) src(%arg9 : memref<4x8192xf32, #tpu.memory_space<vmem>>) dst(%dma_wait3A_65 : memref<4x8192xf32, #tpu.memory_space<hbm>>)
    return
  }
}

</mosaic_0001>

<sc_bundles>
// kernel: _lookup.3.cloned.1.call-start
scs
__scs_entry_jumppad:
0x0: {  	(pc) =	sbr.rel $0x88, $3  }
0x1: {  	(tag) =	ssettag $0x0;
	lr =	simm.s32 $0x1  }
0x2: {  	[smem:$0x3F9F] =	sst lr;
	_ =	strace $0xD0000000  }
0x3: {  	_ = 	snop  }
0x4: {  	_ = 	snop  }
0x5: {  	_ = 	snop  }
0x6: {  	_ = 	snop  }
0x7: {  	_ = 	snop  }
__scs_overlays_trampoline_lowered:
0x8: {  	[smem:$0x3FAE] =	sst s0  }
0x9: {  	[smem:$0x3FAF] =	sst s1  }
0xa: {  	[smem:$0x3FB0] =	sst s2  }
0xb: {  	[smem:$0x3FB1] =	sst s3  }
0xc: {  	[smem:$0x3FB2] =	sst s4  }
0xd: {  	[smem:$0x3FB3] =	sst s5  }
0xe: {  	[smem:$0x3FB4] =	sst s6  }
0xf: {  	[smem:$0x3FB5] =	sst s7  }
0x10: {  	[smem:$0x3FB6] =	sst s8  }
0x11: {  	[smem:$0x3FB7] =	sst s9;
	s0 =	simm.s32 @!p0 $0x0  }
0x12: {  	s1 =	sld [smem:$0x3F9D];
	s0 =	simm.s32 @p0 $0x1  }
0x13: {  	[smem:$0x3FB8] =	sst s0;
	s0 =	simm.s32 @!p1 $0x0  }
0x14: {  	s2 =	sld [smem:$0x3F9C];
	s0 =	simm.s32 @p1 $0x1  }
0x15: {  	[smem:$0x3FB9] =	sst s0;
	s0 =	simm.s32 @!p2 $0x0  }
0x16: {  	s3 =	sld [smem:$0x3FDB];
	s0 =	simm.s32 @p2 $0x1  }
0x17: {  	s4 =	simm.s32 $0x1BF5;
	[smem:$0x3FBB] =	sst s0  }
0x18: {  	s0 =	sld [smem:$0x3F9E];
	_ =	swait.ge [sflag:s4], $0x0  }
0x19: {  	s7 =	sld [smem:$0x3F9F]  }
0x1a: {  	s8 =	sadd.s32 $0xFFFFE003, lr  }
0x1b: {  	s9 =	sadd.s32 $0xFFFFFEF7, lr;
	s5 =	simm.s32 $0xFFFFFFFF;
	p2 =	slt.u32 s8, $0xFFFFF086  }
0x1c: {  	p1 =	slt.u32 s9, $0xF7A;
	s5 =	simm.s32 @!p2 $0x0  }
0x1d: {  	s5 =	simm.s32 @p1 $0x1;
	p0 =	seq.s32 s7, s2  }
0x1e: {  	s7 =	smul.u32 @!p0 $0xF7A, s2;
	p2 =	seq.s32 @!p0 s5, $0x0  }
0x1f: {  	s9 =	smul.u32 $0xF7A, s1;
	s8 =	simm.s32 @!p0 $0x1BF5;
	p2 =	por !p2, p0  }
0x20: {  	[sflag:s8] =	ssyncset.s32 @!p0 $0xFFFFF086;
	s6 =	sadd.s32 @!p0 s3, s7;
	s7 =	simm.s32 @!p0 $0x108  }
0x21: {  	s3 =	sadd.s32 s3, s9;
	s6 =	sadd.s32 @!p0 $0x88, s6;
	s7 =	simm.s32 @p2 $0x1082  }
0x22: {  	[simem:s7], [sflag:s8] =	dma.local @!p0 [hbm:s6], $0xF7A  }
0x23: {  	s9 =	sor.u32 $0xD0000000, s2;
	s6 =	simm.s32 $0x108;
	_ =	swait.ge @!p0 [sflag:s8], $0x0  }
0x24: {  	s3 =	sadd.s32 $0x88, s3;
	s6 =	simm.s32 @!p1 $0x1082;
	[sflag:s4] =	ssyncset.s32 $0xFFFFF086  }
0x25: {  	[simem:s6], [sflag:s4] =	dma.local [hbm:s3], $0xF7A  }
0x26: {  	[smem:$0x3F9F] =	sst s1;
	(tag) =	ssettag s2;
	_ =	strace s9  }
0x27: {  	s1 =	sld [smem:$0x3FAF]  }
0x28: {  	s2 =	sld [smem:$0x3FB0]  }
0x29: {  	s4 =	sld [smem:$0x3FB2]  }
0x2a: {  	p0 =	seq.s32 s5, $0x0;
	s5 =	sld [smem:$0x3FB3]  }
0x2b: {  	s6 =	sld [smem:$0x3FB4]  }
0x2c: {  	s7 =	sld [smem:$0x3FB5]  }
0x2d: {  	s3 =	simm.s32 $0x108;
	s8 =	sld [smem:$0x3FB6]  }
0x2e: {  	s3 =	simm.s32 @!p0 $0x1082;
	s9 =	sld [smem:$0x3FB7]  }
0x2f: {  	lr =	sadd.s32 s0, s3;
	s0 =	sld [smem:$0x3FAE]  }
0x30: {  	s3 =	sld [smem:$0x3FB1]  }
0x31: {  	[smem:$0x3FBA] =	sst s10  }
0x32: {  	s10 =	sld [smem:$0x3FB8];
	_ =	sdelay $0x3  }
0x33: {  	p0 =	seq.s32 s10, $0x1;
	s10 =	sld [smem:$0x3FBA];
	_ =	sdelay $0x3  }
0x34: {  	[smem:$0x3FBA] =	sst s10  }
0x35: {  	s10 =	sld [smem:$0x3FB9];
	_ =	sdelay $0x3  }
0x36: {  	p1 =	seq.s32 s10, $0x1;
	s10 =	sld [smem:$0x3FBA];
	_ =	sdelay $0x3  }
0x37: {  	[smem:$0x3FBA] =	sst s10  }
0x38: {  	s10 =	sld [smem:$0x3FBB]  }
0x39: {  	_ = 	snop;
	(pc) =	sbr.ind lr, $3  }
0x3a: {  	_ = 	snop  }
0x3b: {  	_ = 	snop  }
0x3c: {  	p2 =	seq.s32 s10, $0x1;
	s10 =	sld [smem:$0x3FBA]  }
0x3d: {  	_ =	shalt  }
0x3e: {  	_ =	shalt  }
0x3f: {  	_ =	shalt  }
0x40: {  	_ =	shalt  }
0x41: {  	_ =	shalt  }
0x42: {  	_ =	shalt  }
0x43: {  	_ =	shalt  }
0x44: {  	_ =	shalt  }
0x45: {  	_ =	shalt  }
0x46: {  	_ =	shalt  }
0x47: {  	_ =	shalt  }
0x48: {  	_ =	shalt  }
0x49: {  	_ =	shalt  }
0x4a: {  	_ =	shalt  }
0x4b: {  	_ =	shalt  }
0x4c: {  	_ =	shalt  }
0x4d: {  	_ =	shalt  }
0x4e: {  	_ =	shalt  }
0x4f: {  	_ =	shalt  }
0x50: {  	_ =	shalt  }
0x51: {  	_ =	shalt  }
0x52: {  	_ =	shalt  }
0x53: {  	_ =	shalt  }
0x54: {  	_ =	shalt  }
0x55: {  	_ =	shalt  }
0x56: {  	_ =	shalt  }
0x57: {  	_ =	shalt  }
0x58: {  	_ =	shalt  }
0x59: {  	_ =	shalt  }
0x5a: {  	_ =	shalt  }
0x5b: {  	_ =	shalt  }
0x5c: {  	_ =	shalt  }
0x5d: {  	_ =	shalt  }
0x5e: {  	_ =	shalt  }
0x5f: {  	_ =	shalt  }
0x60: {  	_ =	shalt  }
0x61: {  	_ =	shalt  }
0x62: {  	_ =	shalt  }
0x63: {  	_ =	shalt  }
0x64: {  	_ =	shalt  }
0x65: {  	_ =	shalt  }
0x66: {  	_ =	shalt  }
0x67: {  	_ =	shalt  }
0x68: {  	_ =	shalt  }
0x69: {  	_ =	shalt  }
0x6a: {  	_ =	shalt  }
0x6b: {  	_ =	shalt  }
0x6c: {  	_ =	shalt  }
0x6d: {  	_ =	shalt  }
0x6e: {  	_ =	shalt  }
0x6f: {  	_ =	shalt  }
0x70: {  	_ =	shalt  }
0x71: {  	_ =	shalt  }
0x72: {  	_ =	shalt  }
0x73: {  	_ =	shalt  }
0x74: {  	_ =	shalt  }
0x75: {  	_ =	shalt  }
0x76: {  	_ =	shalt  }
0x77: {  	_ =	shalt  }
0x78: {  	_ =	shalt  }
0x79: {  	_ =	shalt  }
0x7a: {  	_ =	shalt  }
0x7b: {  	_ =	shalt  }
0x7c: {  	_ =	shalt  }
0x7d: {  	_ =	shalt  }
0x7e: {  	_ =	shalt  }
0x7f: {  	_ =	shalt  }
0x80: {  	_ =	shalt  }
0x81: {  	_ =	shalt  }
0x82: {  	_ =	shalt  }
0x83: {  	_ =	shalt  }
0x84: {  	_ =	shalt  }
0x85: {  	_ =	shalt  }
0x86: {  	_ =	shalt  }
0x87: {  	_ =	shalt  }
.Lfunc_end0:
.L_simem_size_0:
called_computation_lowered:
.L_overlay_start_0:
0x88: {  	s2 =	sld [smem:$0x3FD9]  }
0x89: {  	s3 =	sld [smem:$0x3FFE];
	_ =	sdelay $0x1  }
0x8a: {  	s1 =	srdreg.scid  }
0x8b: {  	s0 =	sand.u32 $0x1, s1  }
0x8c: {  	s17 =	sshll.u32 s0, $0xA;
	s2 =	sadd.s32 s3, s2  }
0x8d: {  	s2 =	sadd.s32 s2, s17  }
0x8e: {  	[smem:$0x3FC6] =	sst s2  }
0x8f: {  	_ = 	snop  }
0x90: {  	s2 =	sld [smem:$0x3FC9]  }
0x91: {  	s18 =	sld [smem:$0x3FD0];
	(tm) =	ssettm $0x1  }
0x92: {  	s4 =	sld [smem:$0x3FFB];
	_ =	sdelay $0x3  }
0x93: {  	_ =	strace s4  }
0x94: {  	s4 =	sld [smem:$0x3FFC];
	_ =	sdelay $0x3  }
0x95: {  	_ =	strace s4  }
0x96: {  	s4 =	sld [smem:$0x3FFD];
	_ =	sdelay $0x3  }
0x97: {  	_ =	strace s4  }
0x98: {  	_ =	strace $0x8FFFFFFF  }
0x99: {  	s19 =	sld [smem:$0x3FDB];
	_ =	sdelay $0x1  }
0x9a: {  	s5 =	simm.s32 $_scs_section_size  }
0x9b: {  	s6 =	simm.s32 $_size__tile_overlayer_lowered;
	s7 =	simm.s32 $_tile_overlayer_lowered  }
0x9c: {  	s22 =	simm.s32 $0x1BFF;
	s21 =	sshll.u32 s7, $0x1;
	s4 =	sadd.s32 s5, s19  }
0x9d: {  	s8 =	simm.s32 $0x0;
	s20 =	sshll.u32 s6, $0x1;
	s6 =	sadd.s32 s21, s4  }
0x9e: {  	[timem:s8], [sflag:s22] =	dma.local [hbm:s6], s20  }
0x9f: {  	_ =	swait.ge [sflag:s22], s20  }
0xa0: {  	s5 =	ssub.s32 $0x0, s20;
	[sflag:s22] =	ssyncset.done $0x0  }
0xa1: {  	[sflag:s22] =	ssyncadd.s32 s5;
	_ =	sdelay $0x1  }
0xa2: {  	s23 =	simm.s32 $0x1B8B  }
0xa3: {  	_ =	swait.ge [sflag:s23], $0x1  }
0xa4: {  	[sflag:s23] =	ssyncset.done $0x0  }
0xa5: {  	s25 =	simm.s32 $0x1B8E;
	s24 =	sld [smem:$0x3FFE];
	[sflag:s23] =	ssyncadd.s32 $0xFFFFFFFF  }
0xa6: {  	s26 =	simm.s32 $execute0_lowered;
	[smem:$0x3FD2] =	sst s25  }
0xa7: {  	s6 =	sshll.u32 s26, $0x1;
	_ =	strace $0x80000046;
	[dreg:$0x1] =	wrdreg $0xFFFFFFFF  }
0xa8: {  	s28 =	simm.s32 $_size_execute0_lowered;
	s4 =	sadd.s32 s4, s6;
	[dreg:$0x0] =	wrdreg $0x0  }
0xa9: {  	s6 =	sshll.u32 s28, $0x1;
	[dreg:$0x2] =	wrdreg s4  }
0xaa: {  	[dreg:$0x3] =	wrdreg s6  }
0xab: {  	[dreg:$0x4] =	wrdreg $0xC0  }
0xac: {  	_ =	task [dreg:s8], $0x5FFFF  }
0xad: {  	[dreg:$0x1] =	wrdreg $0xFFFFFFFF  }
0xae: {  	[dreg:$0x0] =	wrdreg $0x60  }
0xaf: {  	[dreg:$0x2] =	wrdreg s2  }
0xb0: {  	[dreg:$0x3] =	wrdreg s24  }
0xb1: {  	[dreg:$0x4] =	wrdreg s18  }
0xb2: {  	[dreg:$0x5] =	wrdreg $0x9  }
0xb3: {  	_ =	task.clear_ibuf [dreg:s8], $0x6FFFF;
	_ =	strace $0x90000046  }
0xb4: {  	s29 =	simm.s32 $0x9;
	_ =	strace $0x80000048  }
0xb5: {  	_ =	swait.ge [sflag:s29], $0x1  }
0xb6: {  	[sflag:s29] =	ssyncadd.s32 $0xFFFFFFFF  }
0xb7: {  	_ =	strace $0x90000048  }
0xb8: {  	_ =	sfence  }
0xb9: {  	s30 =	sld [smem:$0x0];
	_ =	sdelay $0x2  }
0xba: {  	s31 =	sshll.u32 s1, $0xD;
	s1 =	sshrl.u32 s1, $0x2  }
0xbb: {  	s3 =	sand.u32 $0x4000, s31;
	s1 =	sadd.s32 s1, s30  }
0xbc: {  	s0 =	sor.u32 s3, s0;
	s1 =	sshll.u32 s1, $0x11  }
0xbd: {  	s0 =	sor.u32 s1, s0  }
0xbe: {  	s0 =	sadd.s32 $0x8F2B, s0  }
0xbf: {  	[sflag:s0] =	ssyncadd.remote.s32 $0x1  }
0xc0: {  	_ =	sfence.sel $0xFFFF  }
0xc1: {  	[dreg:$0x0] =	wrdreg $0xFFFFFFFF;
	(pc) =	sbr.abs _section_cstart, $3  }
0xc2: {  	[dreg:$0x1] =	wrdreg $0xFFFFFFFF  }
0xc3: {  	_ =	task.clear_ibuf [dreg:s8], $0x2FFFF;
	_ =	strace $0x9FFFFFFF  }
0xc4: {  	(tm) =	ssettm $0x7FFFFFFF  }
0xc5: {  	_ =	shalt  }
tec
execute0_lowered:
.L_overlay_start_1:
0x0: {  	(tag) =	ssettag $0x1  }
0x1: {  	s6 =	rddreg [dreg:$0x0]  }
0x2: {  	s0 =	rddreg [dreg:$0x1];
	s3 =	simm.s32 $0x0  }
0x3: {  	s1 =	srdreg.scid;
	s5 =	stileid.u32;
	s15 =	simm.s32 $0x1000  }
0x4: {  	[smem:$0x7FF] =	sst s3;
	s1 =	sand.u32 $0x1, s1;
	s0 =	sadd.s32 $0x400, s0  }
0x5: {  	s4 =	sshll.u32 s5, $0xD;
	s29 =	sshll.u32 s5, $0x1;
	s5 =	sshll.u32 s5, $0x11  }
0x6: {  	_ =	strace $0x80000047;
	s2 =	ssub.s32 $0x2, s1;
	[dreg:$0x4] =	wrdreg s0  }
0x7: {  	s8 =	sand.u32 $0x10000, s4;
	s4 =	sor.u32 s5, s4;
	s28 =	sshrl.u32 s2, $0x1  }
0x8: {  	s7 =	sshrl.u32 s8, $0x3;
	s4 =	sand.u32 $0xF0000, s4;
	[dreg:$0x5] =	wrdreg s8  }
0x9: {  	s0 =	ssub.s32 s2, s28;
	s2 =	sand.u32 $0xE, s29;
	s6 =	sadd.s32 s6, s7  }
0xa: {  	s2 =	sor.u32 s1, s2;
	[dreg:$0x6] =	wrdreg s6;
	s6 =	sadd.s32 $0x10, s6  }
0xb: {  	s1 =	sshll.u32 s1, $0x9;
	s0 =	smax.u32 s0, $0x1;
	[dreg:$0x7] =	wrdreg s6  }
0xc: {  	s30 =	sor.u32 s8, s1;
	s1 =	sor.u32 s1, s4;
	[dreg:$0xa] =	wrdreg s0  }
0xd: {  	s2 =	sshll.u32 s2, $0x8;
	[dreg:$0x8] =	wrdreg s1;
	s31 =	sor.u32 s30, s5  }
0xe: {  	s16 =	simm.s32 $0x3000;
	v1 =	vlaneseq.u32;
	v0 =	vmov s2;
	s2 =	simm.s32 $0x0;
	[dreg:$0x9] =	wrdreg s31  }
.LBB2_1:
0xf: {  	[dreg:$0xb] =	wrdreg s2  }
0x10: {  	s0 =	rddreg [dreg:$0x4];
	s28 =	simm.s32 $0x1  }
0x11: {  	[tilespmem:s3], [sflag:$0x1] =	stream.linear.gather [hbm4b:s0+s3], $0x1000, $0x38;
	[tilespmem:$0x15000] =	vst v63  }
0x12: {  	_ =	swait.ge [sflag:s28], $0x1000  }
0x13: {  	s1 =	simm.s32 $0x80;
	[sflag:s28] =	ssyncset.done $0x0  }
0x14: {  	s30 =	simm.s32 $0x400;
	s29 =	rddreg [dreg:$0x6];
	[sflag:s28] =	ssyncadd.s32 $0xFFFFF000  }
0x15: {  	[tilespmem:s15], [sflag:$0x2] =	stream.strided.gather [hbm4b:s29+s1], $0x2000, s30, s1, $0x38;
	[tilespmem:$0x15000] =	vst v63  }
0x16: {  	s6 =	simm.s32 $0x0;
	s31 =	rddreg [dreg:$0x7]  }
0x17: {  	[tilespmem:s16], [sflag:$0x3] =	stream.strided.gather [hbm4b:s31+s1], $0x2000, s30, s1, $0x38;
	[tilespmem:$0x15000] =	vst v63  }
.LBB2_2:
0x18: {  	s0 =	simm.s32 $0x2  }
0x19: {  	s2 =	simm.s32 $0x20;
	_ =	swait.ge [sflag:s0], $0x2000  }
0x1a: {  	p1 =	seq.s32 s6, $0x0;
	v2 =	vor.u32 s2, v1;
	[sflag:s0] =	ssyncset.done $0x0  }
0x1b: {  	s7 =	simm.s32 $0x0;
	[sflag:s0] =	ssyncadd.s32 $0xFFFFE000;
	s0 =	simm.s32 @!p1 $0x4  }
0x1c: {  	v3 =	vor.u32 s7, v1;
	_ =	swait.ge @!p1 [sflag:s0], $0x8000  }
0x1d: {  	[sflag:s0] =	ssyncset.done @!p1 $0x0  }
0x1e: {  	s8 =	simm.s32 $0x30;
	[sflag:s0] =	ssyncadd.s32 @!p1 $0xFFFF8000  }
0x1f: {  	v4 =	vor.u32 s8, v1;
	v6 =	vld.idx.msk [tilespmem:v2+s15+$0x0], $0xffff;
	_ =	sdelay $0x1  }
0x20: {  	s9 =	simm.s32 $0x10;
	v3 =	vld.idx.msk [tilespmem:v3+s15+$0x0], $0xffff  }
0x21: {  	v5 =	vor.u32 s9, v1;
	_ =	sdelay $0x1  }
0x22: {  	v4 =	vld.idx.msk [tilespmem:v4+s15+$0x0], $0xffff;
	v7 =	vadd.s32 v0, v6;
	_ =	sdelay $0x1  }
0x23: {  	v8 =	vadd.s32 v0, v3  }
0x24: {  	s17 =	simm.s32 $0x70;
	v5 =	vld.idx.msk [tilespmem:v5+s15+$0x0], $0xffff  }
0x25: {  	v12 =	vor.u32 s17, v1  }
0x26: {  	v9 =	vadd.s32 v0, v4;
	v10 =	vld.idx.msk [tilespmem:v7+s3+$0x0], $0xffff  }
0x27: {  	s5 =	simm.s32 $0x0;
	s1 =	simm.s32 $0x60;
	v11 =	vadd.s32 $0x40, v7  }
0x28: {  	s4 =	sand.u32 $0x7E00, s5;
	v14 =	vor.u32 s1, v1;
	v13 =	vld.idx.msk [tilespmem:v8+s3+$0x0], $0xffff  }
0x29: {  	s2 =	sand.u32 $0x60, s2;
	s10 =	sadd.s32 $0x5000, s4;
	v2 =	vadd.s32 v0, v5  }
0x2a: {  	s18 =	simm.s32 $0x40;
	s11 =	sor.u32 s2, s10;
	v12 =	vld.idx.msk [tilespmem:v12+s15+$0x0], $0xffff;
	v15 =	vadd.s32 $0x40, v8  }
0x2b: {  	s19 =	simm.s32 $0x50;
	v18 =	vor.u32 s18, v1;
	s7 =	sand.u32 $0x40, s7;
	v6 =	vand.u32 $0x7F, v6;
	v19 =	vand.u32 $0xFFFFFF80, v7;
	v16 =	vld.idx.msk [tilespmem:v9+s3+$0x0], $0xffff;
	[tilespmem:s11+$0x0] =	vst v10  }
0x2c: {  	s7 =	sor.u32 s7, s10;
	v6 =	vor.u32 v6, v19;
	v10 =	vor.u32 s19, v1;
	v11 =	vld.idx.msk [tilespmem:v11+s3+$0x0], $0xffff  }
0x2d: {  	v6 =	vadd.s32 $0x80, v6;
	[tilespmem:s7+$0x0] =	vst v13;
	v13 =	vld.idx.msk [tilespmem:v14+s15+$0x0], $0xffff  }
0x2e: {  	v17 =	vld.idx.msk [tilespmem:v2+s3+$0x0], $0xffff  }
0x2f: {  	v3 =	vand.u32 $0x7F, v3;
	v19 =	vadd.s32 $0x40, v2;
	v14 =	vand.u32 $0xFFFFFF80, v8;
	v15 =	vld.idx.msk [tilespmem:v15+s3+$0x0], $0xffff  }
0x30: {  	v20 =	vadd.s32 $0x40, v9;
	v3 =	vor.u32 v3, v14;
	v14 =	vld.idx.msk [tilespmem:v18+s15+$0x0], $0xffff  }
0x31: {  	s9 =	sand.u32 $0x50, s9;
	v18 =	vadd.s32 $0x80, v3;
	v10 =	vld.idx.msk [tilespmem:v10+s15+$0x0], $0xffff;
	[tilespmem:s11+$0x80] =	vst v11  }
0x32: {  	s8 =	sand.u32 $0x70, s8;
	s20 =	sand.u32 $0x3, s5;
	s9 =	sor.u32 s9, s10;
	v3 =	vadd.s32 v0, v13;
	v6 =	vld.idx.msk [tilespmem:v6+s3+$0x0], $0xffff  }
0x33: {  	s8 =	sor.u32 s8, s10;
	s10 =	sshll.u32 s20, $0x5;
	[tilespmem:s9+$0x0] =	vst v17;
	v11 =	vadd.s32 v0, v12  }
0x34: {  	s21 =	sadd.s32 $0x0, s10;
	[tilespmem:s8+$0x0] =	vst v16;
	v16 =	vld.idx.msk [tilespmem:v19+s3+$0x0], $0xffff  }
0x35: {  	v5 =	vand.u32 $0x7F, v5;
	v7 =	vadd.s32 $0xC0, v7;
	v17 =	vand.u32 $0xFFFFFF80, v2;
	v19 =	vld.idx.msk [tilespmem:v20+s3+$0x0], $0xffff;
	[tilespmem:s7+$0x80] =	vst v15;
	s7 =	sadd.s32 $0x20, s21  }
0x36: {  	v5 =	vor.u32 v5, v17;
	v15 =	vadd.s32 v0, v14;
	v17 =	vld.idx.msk [tilespmem:v18+s3+$0x0], $0xffff;
	s22 =	sor.u32 $0x100, s7  }
0x37: {  	p0 =	por $0x0, $0x0;
	s23 =	sshll.u32 s6, $0x1;
	v4 =	vand.u32 $0x7F, v4;
	v20 =	vand.u32 $0xFFFFFF80, v9;
	v18 =	vadd.s32 v0, v10;
	v21 =	vld.idx.msk [tilespmem:v3+s3+$0x0], $0xffff;
	[tilespmem:s22+$0x5000] =	vst v6  }
0x38: {  	s12 =	simm.s32 $0x100;
	s10 =	simm.s32 $0x1;
	v4 =	vor.u32 v4, v20;
	v5 =	vadd.s32 $0x80, v5;
	v20 =	vld.idx.msk [tilespmem:v11+s3+$0x0], $0xffff;
	[dreg:$0xc] =	wrdreg s6  }
0x39: {  	s29 =	simm.s32 $0xA0;
	s10 =	simm.s32 @!p0 $0x0;
	v4 =	vadd.s32 $0x80, v4;
	[dreg:$0xd] =	wrdreg s23  }
0x3a: {  	s5 =	sand.u32 $0x7, s5;
	s25 =	sand.u32 $0x7E00, s12;
	s10 =	sshll.u32 s10, $0x6;
	v22 =	vadd.s32 $0x40, v3;
	v7 =	vld.idx.msk [tilespmem:v7+s3+$0x0], $0xffff  }
0x3b: {  	s24 =	sshll.u32 s5, $0x4;
	s5 =	simm.s32 $0xB0;
	s13 =	sadd.s32 $0x0, s10;
	v6 =	vadd.s32 $0xC0, v8;
	v8 =	vld.idx.msk [tilespmem:v15+s3+$0x0], $0xffff;
	[tilespmem:s9+$0x80] =	vst v16  }
0x3c: {  	s1 =	sand.u32 $0x60, s1;
	s26 =	sadd.s32 $0x5000, s25;
	s10 =	sor.u32 $0x100, s13;
	v16 =	vor.u32 s5, v1;
	[tilespmem:s8+$0x80] =	vst v19;
	v23 =	vld.idx.msk [tilespmem:v18+s3+$0x0], $0xffff  }
0x3d: {  	s4 =	sand.u32 $0x40, s18;
	s18 =	sor.u32 s1, s26;
	v19 =	vor.u32 s29, v1;
	[tilespmem:s10+$0x5000] =	vst v17;
	v24 =	vld.idx.msk [tilespmem:v5+s3+$0x0], $0xffff  }
0x3e: {  	s6 =	simm.s32 $0x80;
	v5 =	vadd.s32 $0x40, v15;
	v17 =	vld.idx.msk [tilespmem:v4+s3+$0x0], $0xffff;
	[tilespmem:s18+$0x0] =	vst v21  }
0x3f: {  	s30 =	simm.s32 $0x2;
	s14 =	sadd.s32 $0x0, s24;
	s20 =	sor.u32 s4, s26;
	v25 =	vor.u32 s6, v1;
	v22 =	vld.idx.msk [tilespmem:v22+s3+$0x0], $0xffff  }
0x40: {  	s24 =	simm.s32 $0x4;
	v26 =	vadd.s32 $0xC0, v9;
	v29 =	vadd.s32 $0xC0, v2;
	v27 =	vadd.s32 $0x40, v11;
	s10 =	sand.u32 $0x50, s19;
	s19 =	simm.s32 $0x90;
	v21 =	vld.idx.msk [tilespmem:v6+s3+$0x0], $0xffff  }
0x41: {  	p0 =	por !p0, !p0;
	s0 =	simm.s32 $0x1;
	v13 =	vand.u32 $0x7F, v13;
	s21 =	sand.u32 $0x70, s17;
	v4 =	vand.u32 $0xFFFFFF80, v3;
	v6 =	vor.u32 s19, v1;
	v16 =	vld.idx.msk [tilespmem:v16+s15+$0x0], $0xffff  }
0x42: {  	s0 =	simm.s32 @!p0 $0x0;
	p0 =	por !p0, !p0;
	v12 =	vand.u32 $0x7F, v12;
	v9 =	vadd.s32 $0x40, v18;
	s9 =	sor.u32 s21, s26;
	v13 =	vor.u32 v13, v4;
	[tilespmem:s20+$0x0] =	vst v8;
	v4 =	vld.idx.msk [tilespmem:v19+s15+$0x0], $0xffff  }
0x43: {  	s2 =	sor.u32 $0x180, s13;
	s17 =	sadd.s32 $0x10, s14;
	v14 =	vand.u32 $0x7F, v14;
	s7 =	sor.u32 $0x180, s7;
	[tilespmem:s9+$0x0] =	vst v20;
	v8 =	vadd.s32 $0x80, v13;
	v13 =	vand.u32 $0xFFFFFF80, v11;
	v28 =	vld.idx.msk [tilespmem:v5+s3+$0x0], $0xffff  }
0x44: {  	s13 =	sand.u32 $0x7, s24;
	s24 =	sshll.u32 s0, $0x6;
	v10 =	vand.u32 $0x7F, v10;
	s22 =	sor.u32 $0x100, s17;
	v19 =	vand.u32 $0xFFFFFF80, v15;
	[tilespmem:s7+$0x5000] =	vst v7;
	v5 =	vor.u32 v12, v13;
	v12 =	vld.idx.msk [tilespmem:v25+s15+$0x0], $0xffff  }
0x45: {  	s13 =	sshll.u32 s13, $0x4;
	s11 =	sadd.s32 $0x30, s14;
	s12 =	sor.u32 s10, s26;
	v7 =	vand.u32 $0xFFFFFF80, v18;
	v2 =	vor.u32 v14, v19;
	[tilespmem:s22+$0x5000] =	vst v24;
	v24 =	vld.idx.msk [tilespmem:v27+s3+$0x0], $0xffff;
	v25 =	vadd.s32 $0xC0, v3  }
0x46: {  	s0 =	simm.s32 $0x8;
	s25 =	sadd.s32 $0x100, s13;
	s4 =	sor.u32 $0x100, s11;
	[tilespmem:s12+$0x0] =	vst v23;
	v13 =	vadd.s32 $0x80, v2;
	v2 =	vadd.s32 $0xC0, v11;
	v5 =	vadd.s32 $0x80, v5;
	v23 =	vld.idx.msk [tilespmem:v6+s15+$0x0], $0xffff  }
0x47: {  	s23 =	sor.u32 $0x180, s11;
	s11 =	sand.u32 $0x40, s6;
	s6 =	sand.u32 $0x3, s30;
	v11 =	vld.idx.msk [tilespmem:v9+s3+$0x0], $0xffff;
	[tilespmem:s18+$0x80] =	vst v22;
	v6 =	vor.u32 v10, v7;
	v7 =	vadd.s32 $0xC0, v15;
	v20 =	vadd.s32 v0, v16  }
0x48: {  	s14 =	sadd.s32 $0x10, s25;
	s1 =	sor.u32 $0x180, s17;
	s17 =	sshll.u32 s6, $0x5;
	v10 =	vadd.s32 $0x80, v6;
	v6 =	vadd.s32 $0xC0, v18;
	v22 =	vld.idx.msk [tilespmem:v8+s3+$0x0], $0xffff;
	v8 =	vadd.s32 v0, v4  }
0x49: {  	s13 =	sor.u32 $0x100, s14;
	s26 =	sadd.s32 $0x100, s24;
	s24 =	sadd.s32 $0x100, s17;
	[tilespmem:s4+$0x5000] =	vst v17;
	v27 =	vld.idx.msk [tilespmem:v29+s3+$0x0], $0xffff;
	v14 =	vand.u32 $0x7F, v16;
	v9 =	vadd.s32 $0x40, v20;
	v15 =	vand.u32 $0xFFFFFF80, v20  }
0x4a: {  	s28 =	sor.u32 $0x180, s14;
	s8 =	sand.u32 $0x70, s5;
	s21 =	sadd.s32 $0x20, s24;
	v19 =	vld.idx.msk [tilespmem:v26+s3+$0x0], $0xffff;
	[tilespmem:s20+$0x80] =	vst v28;
	v3 =	vadd.s32 $0xC0, v20;
	v63 =	vadd.s32 v0, v12;
	v12 =	vand.u32 $0x7F, v12  }
0x4b: {  	s24 =	simm.s32 $0x8;
	s7 =	sand.u32 $0x50, s19;
	s19 =	simm.s32 $0xF0;
	[tilespmem:s2+$0x5000] =	vst v21;
	v14 =	vor.u32 v14, v15;
	v18 =	vld.idx.msk [tilespmem:v13+s3+$0x0], $0xffff;
	v17 =	vand.u32 $0xFFFFFF80, v63;
	v21 =	vadd.s32 v0, v23  }
0x4c: {  	s22 =	sor.u32 $0x100, s26;
	s20 =	sadd.s32 $0x30, s25;
	s25 =	sor.u32 $0x100, s21;
	[tilespmem:s12+$0x80] =	vst v11;
	v15 =	vadd.s32 $0x80, v14;
	v14 =	vadd.s32 $0x40, v63;
	v12 =	vor.u32 v12, v17;
	v16 =	vld.idx.msk [tilespmem:v20+s3+$0x0], $0xffff  }
0x4d: {  	s4 =	sor.u32 $0x180, s26;
	s26 =	sand.u32 $0x7, s24;
	s12 =	simm.s32 $0x1;
	v17 =	vadd.s32 $0xC0, v63;
	v11 =	vand.u32 $0xFFFFFF80, v21;
	v20 =	vand.u32 $0x7F, v23;
	v23 =	vld.idx.msk [tilespmem:v8+s3+$0x0], $0xffff;
	[tilespmem:s25+$0x5000] =	vst v22  }
0x4e: {  	[tilespmem:s9+$0x80] =	vst v24;
	s9 =	sshll.u32 s26, $0x4;
	s5 =	sor.u32 $0x100, s20;
	s12 =	simm.s32 @!p0 $0x0;
	v13 =	vadd.s32 $0x40, v21;
	v12 =	vadd.s32 $0x80, v12;
	v11 =	vor.u32 v20, v11;
	v20 =	vld.idx.msk [tilespmem:v25+s3+$0x0], $0xffff  }
0x4f: {  	s31 =	sor.u32 $0x180, s20;
	[tilespmem:s1+$0x5000] =	vst v27;
	s2 =	sshll.u32 s12, $0x6;
	s12 =	simm.s32 $0x200;
	v24 =	vld.idx.msk [tilespmem:v63+s3+$0x0], $0xffff;
	v25 =	vadd.s32 $0x40, v8;
	v22 =	vadd.s32 $0x80, v11;
	v11 =	vadd.s32 $0xC0, v21  }
.LBB2_3:
0x50: {  	s18 =	sadd.s32 $0xFFFFFFF0, s19;
	v26 =	vor.u32 s19, v1;
	s0 =	sadd.s32 $0x4, s0;
	s1 =	sand.u32 $0x7E00, s12;
	v21 =	vld.idx.msk [tilespmem:v21+s3+$0x0], $0xffff;
	[tilespmem:s22+$0x5000] =	vst v18  }
0x51: {  	s10 =	sand.u32 $0x60, s29;
	v18 =	vor.u32 s18, v1;
	p2 =	slt.u32 s0, $0x1FC;
	s1 =	sadd.s32 $0x5000, s1;
	v27 =	vld.idx.msk [tilespmem:v10+s3+$0x0], $0xffff;
	[tilespmem:s23+$0x5000] =	vst v19;
	v10 =	vmov v22  }
0x52: {  	s22 =	sadd.s32 $0xFFFFFFD0, s19;
	s23 =	sadd.s32 $0xFFFFFFE0, s19;
	s14 =	sor.u32 s10, s1;
	v19 =	vld.idx.msk [tilespmem:v5+s3+$0x0], $0xffff;
	v5 =	vmov v15  }
0x53: {  	s17 =	sand.u32 $0x40, s22;
	v15 =	vor.u32 s22, v1;
	v22 =	vor.u32 s23, v1;
	s23 =	sand.u32 $0x50, s23;
	s22 =	sor.u32 $0x180, s21;
	[tilespmem:s14+$0x0] =	vst v23;
	v23 =	vld.idx.msk [tilespmem:v7+s3+$0x0], $0xffff;
	v7 =	vmov v17  }
0x54: {  	s20 =	sand.u32 $0x70, s19;
	v4 =	vand.u32 $0x7F, v4;
	s21 =	sor.u32 s11, s1;
	s10 =	sor.u32 s7, s1;
	v17 =	vld.idx.msk [tilespmem:v25+s3+$0x0], $0xffff;
	v25 =	vand.u32 $0xFFFFFF80, v8;
	[tilespmem:s22+$0x5000] =	vst v20  }
0x55: {  	s2 =	sadd.s32 s2, s12;
	s7 =	sadd.s32 s12, s9;
	s1 =	sor.u32 s8, s1;
	v20 =	vld.idx.msk [tilespmem:v26+s15+$0x0], $0xffff;
	[tilespmem:s21+$0x0] =	vst v24;
	v24 =	vor.u32 v4, v25  }
0x56: {  	s8 =	sadd.s32 $0x10, s7;
	s7 =	sadd.s32 $0x30, s7;
	s22 =	sor.u32 $0x100, s2;
	v4 =	vld.idx.msk [tilespmem:v18+s15+$0x0], $0xffff;
	[tilespmem:s10+$0x0] =	vst v21;
	v18 =	vadd.s32 $0x80, v24  }
0x57: {  	s9 =	sor.u32 $0x100, s8;
	s6 =	sor.u32 $0x180, s8;
	s26 =	sor.u32 $0x100, s7;
	v14 =	vld.idx.msk [tilespmem:v14+s3+$0x0], $0xffff;
	[tilespmem:s1+$0x0] =	vst v16  }
0x58: {  	s29 =	smov.u32 s18;
	s2 =	sor.u32 $0x180, s2;
	s25 =	sor.u32 $0x180, s7;
	v15 =	vld.idx.msk [tilespmem:v15+s15+$0x0], $0xffff;
	[tilespmem:s13+$0x5000] =	vst v27  }
0x59: {  	s11 =	smov.u32 s17;
	s7 =	smov.u32 s23;
	s8 =	smov.u32 s20;
	v16 =	vld.idx.msk [tilespmem:v22+s15+$0x0], $0xffff;
	[tilespmem:s5+$0x5000] =	vst v19  }
0x5a: {  	s18 =	smov.u32 s28;
	s28 =	smov.u32 s6;
	s13 =	smov.u32 s9;
	v22 =	vld.idx.msk [tilespmem:v13+s3+$0x0], $0xffff;
	[tilespmem:s14+$0x80] =	vst v17  }
0x5b: {  	s30 =	sadd.s32 $0x2, s30;
	s5 =	smov.u32 s26;
	v17 =	vadd.s32 v0, v20;
	v13 =	vand.u32 $0x7F, v20;
	v20 =	vld.idx.msk [tilespmem:v18+s3+$0x0], $0xffff;
	[tilespmem:s4+$0x5000] =	vst v23;
	s4 =	smov.u32 s2  }
0x5c: {  	s23 =	smov.u32 s31;
	s31 =	smov.u32 s25;
	v23 =	vadd.s32 v0, v4;
	v18 =	vand.u32 $0xFFFFFF80, v17;
	s2 =	sand.u32 $0x3, s30;
	v24 =	vld.idx.msk [tilespmem:v9+s3+$0x0], $0xffff;
	v9 =	vadd.s32 $0x40, v17  }
0x5d: {  	v26 =	vadd.s32 $0xC0, v8;
	v25 =	vadd.s32 $0xC0, v17;
	v13 =	vor.u32 v13, v18;
	s2 =	sshll.u32 s2, $0x5;
	v8 =	vmovc v23;
	[tilespmem:s21+$0x80] =	vst v14;
	v27 =	vld.idx.msk [tilespmem:v6+s3+$0x0], $0xffff  }
0x5e: {  	v28 =	vadd.s32 v0, v15;
	v29 =	vand.u32 $0x7F, v15;
	v15 =	vadd.s32 $0x80, v13;
	s2 =	sadd.s32 s12, s2;
	v6 =	vmovc v11;
	v18 =	vld.idx.msk [tilespmem:v12+s3+$0x0], $0xffff  }
.Ltmp0:
0x5f: {  	v14 =	vadd.s32 $0x40, v28;
	v11 =	vand.u32 $0xFFFFFF80, v28;
	v21 =	vadd.s32 v0, v16;
	s21 =	sadd.s32 $0x20, s2;
	v19 =	vld.idx.msk [tilespmem:v2+s3+$0x0], $0xffff;
	v2 =	vmovc v3;
	v3 =	vmovc v25;
	(pc) =	sbr.rel @p2 .LBB2_3-.Ltmp0, $4  }
0x60: {  	p0 =	por !p0, !p0;
	s6 =	simm.s32 $0x1;
	v13 =	vadd.s32 $0x40, v21;
	v12 =	vand.u32 $0xFFFFFF80, v21;
	v25 =	vand.u32 $0x7F, v16;
	s2 =	sor.u32 $0x100, s21;
	v16 =	vld.idx.msk [tilespmem:v17+s3+$0x0], $0xffff;
	[tilespmem:s10+$0x80] =	vst v22  }
0x61: {  	s24 =	sadd.s32 $0x4, s24;
	s6 =	simm.s32 @!p0 $0x0;
	v11 =	vor.u32 v29, v11;
	v17 =	vadd.s32 $0xC0, v28;
	v22 =	vor.u32 v25, v12;
	v23 =	vld.idx.msk [tilespmem:v23+s3+$0x0], $0xffff;
	[tilespmem:s2+$0x5000] =	vst v20  }
0x62: {  	s9 =	sand.u32 $0x7, s24;
	v12 =	vadd.s32 $0x80, v11;
	v11 =	vadd.s32 $0xC0, v21;
	s2 =	sshll.u32 s6, $0x6;
	v22 =	vadd.s32 $0x80, v22;
	v20 =	vld.idx.msk [tilespmem:v26+s3+$0x0], $0xffff;
	[tilespmem:s1+$0x80] =	vst v24  }
0x63: {  	s19 =	sadd.s32 $0x40, s19;
	s9 =	sshll.u32 s9, $0x4;
	s12 =	sadd.s32 $0x100, s12;
	v25 =	vadd.s32 $0x40, v8;
	v24 =	vld.idx.msk [tilespmem:v28+s3+$0x0], $0xffff;
	[tilespmem:s18+$0x5000] =	vst v27  }
0x64: {  	_ =	sdelay $0x3  }
0x65: {  	s0 =	sand.u32 $0x7E00, s12;
	v21 =	vld.idx.msk [tilespmem:v21+s3+$0x0], $0xffff  }
0x66: {  	[tilespmem:s22+$0x5000] =	vst v18;
	s1 =	sand.u32 $0x60, s29;
	s0 =	sadd.s32 $0x5000, s0  }
0x67: {  	[tilespmem:s23+$0x5000] =	vst v19;
	s1 =	sor.u32 s1, s0  }
0x68: {  	v10 =	vld.idx.msk [tilespmem:v10+s3+$0x0], $0xffff;
	v18 =	vand.u32 $0xFFFFFF80, v8;
	v4 =	vand.u32 $0x7F, v4;
	s6 =	sor.u32 s11, s0;
	[tilespmem:s1+$0x0] =	vst v23  }
0x69: {  	v4 =	vor.u32 v4, v18;
	s7 =	sor.u32 s7, s0;
	v19 =	vld.idx.msk [tilespmem:v25+s3+$0x0], $0xffff;
	[tilespmem:s6+$0x0] =	vst v24  }
0x6a: {  	s0 =	sor.u32 s8, s0;
	v4 =	vadd.s32 $0x80, v4;
	[tilespmem:s7+$0x0] =	vst v21;
	v14 =	vld.idx.msk [tilespmem:v14+s3+$0x0], $0xffff  }
0x6b: {  	s18 =	sor.u32 $0x180, s21;
	[tilespmem:s0+$0x0] =	vst v16;
	v13 =	vld.idx.msk [tilespmem:v13+s3+$0x0], $0xffff  }
0x6c: {  	[tilespmem:s18+$0x5000] =	vst v20;
	v9 =	vld.idx.msk [tilespmem:v9+s3+$0x0], $0xffff  }
0x6d: {  	v5 =	vld.idx.msk [tilespmem:v5+s3+$0x0], $0xffff;
	[tilespmem:s13+$0x5000] =	vst v10  }
0x6e: {  	s19 =	sadd.s32 $0x2, s30;
	v7 =	vld.idx.msk [tilespmem:v7+s3+$0x0], $0xffff;
	[tilespmem:s1+$0x80] =	vst v19  }
0x6f: {  	s1 =	sand.u32 $0x3, s19;
	v4 =	vld.idx.msk [tilespmem:v4+s3+$0x0], $0xffff;
	[tilespmem:s6+$0x80] =	vst v14  }
0x70: {  	v8 =	vadd.s32 $0xC0, v8;
	s1 =	sshll.u32 s1, $0x5;
	v10 =	vld.idx.msk [tilespmem:v12+s3+$0x0], $0xffff;
	[tilespmem:s7+$0x80] =	vst v13  }
0x71: {  	[tilespmem:s0+$0x80] =	vst v9;
	s1 =	sadd.s32 s12, s1;
	v9 =	vld.idx.msk [tilespmem:v22+s3+$0x0], $0xffff  }
0x72: {  	[tilespmem:s5+$0x5000] =	vst v5;
	v5 =	vld.idx.msk [tilespmem:v15+s3+$0x0], $0xffff;
	s20 =	sadd.s32 $0x20, s1  }
0x73: {  	s21 =	sadd.s32 s12, s9;
	s2 =	sadd.s32 s2, s12;
	[tilespmem:s4+$0x5000] =	vst v7;
	v6 =	vld.idx.msk [tilespmem:v6+s3+$0x0], $0xffff;
	s22 =	sor.u32 $0x100, s20  }
0x74: {  	s23 =	sor.u32 $0x100, s2;
	s24 =	sadd.s32 $0x10, s21;
	v2 =	vld.idx.msk [tilespmem:v2+s3+$0x0], $0xffff;
	[tilespmem:s22+$0x5000] =	vst v4  }
0x75: {  	s25 =	sor.u32 $0x100, s24;
	s1 =	sadd.s32 $0x30, s21;
	v4 =	vld.idx.msk [tilespmem:v8+s3+$0x0], $0xffff;
	[tilespmem:s23+$0x5000] =	vst v10  }
0x76: {  	s26 =	sor.u32 $0x100, s1;
	s7 =	rddreg [dreg:$0xc];
	v7 =	vld.idx.msk [tilespmem:v17+s3+$0x0], $0xffff;
	[tilespmem:s25+$0x5000] =	vst v9  }
0x77: {  	p0 =	seq.s32 s7, $0x63;
	s4 =	rddreg [dreg:$0xd];
	[tilespmem:s26+$0x5000] =	vst v5;
	v5 =	vld.idx.msk [tilespmem:v11+s3+$0x0], $0xffff  }
0x78: {  	s2 =	sor.u32 $0x180, s2;
	[tilespmem:s28+$0x5000] =	vst v6;
	s4 =	sadd.s32 @!p0 $0x2, s4;
	v3 =	vld.idx.msk [tilespmem:v3+s3+$0x0], $0xffff  }
0x79: {  	s0 =	sor.u32 $0x180, s20;
	[tilespmem:s31+$0x5000] =	vst v2;
	s5 =	sshll.u32 @!p0 s4, $0x7;
	s4 =	sshll.u32 @!p0 s4, $0xE  }
0x7a: {  	s8 =	sor.u32 $0x180, s24;
	s5 =	sand.u32 @!p0 $0x300, s5;
	s4 =	sand.u32 @!p0 $0x7E0000, s4;
	[tilespmem:s0+$0x5000] =	vst v4  }
0x7b: {  	s1 =	sor.u32 $0x180, s1;
	s4 =	sor.u32 @!p0 s4, s5;
	s0 =	rddreg [dreg:$0x5];
	[tilespmem:s2+$0x5000] =	vst v7  }
0x7c: {  	s9 =	sshll.u32 s7, $0x15;
	s2 =	rddreg [dreg:$0x0];
	s0 =	sor.u32 @!p0 s0, s4;
	[tilespmem:s8+$0x5000] =	vst v5  }
0x7d: {  	s4 =	simm.s32 @!p0 $0x1000;
	s0 =	sshrl.u32 @!p0 s0, $0x3;
	[tilespmem:s1+$0x5000] =	vst v3;
	s1 =	simm.s32 @!p0 $0x80  }
0x7e: {  	s0 =	sadd.s32 @!p0 s2, s0;
	s2 =	simm.s32 @!p0 $0x400;
	s10 =	rddreg [dreg:$0x8]  }
0x7f: {  	[tilespmem:s4], [sflag:$0x2] =	stream.strided.gather @!p0 [hbm4b:s0+s1], $0x2000, s2, s1, $0x38;
	[tilespmem:$0x15000] =	vst v63  }
0x80: {  	s14 =	simm.s32 $0x5000;
	s17 =	simm.s32 $0x3;
	s0 =	sor.u32 s9, s10  }
0x81: {  	s11 =	rddreg [dreg:$0x2];
	s13 =	simm.s32 $0x200;
	s0 =	sshrl.u32 s0, $0x3  }
0x82: {  	s12 =	simm.s32 $0x400;
	[dreg:$0xe] =	wrdreg s9;
	s0 =	sadd.s32 s11, s0  }
0x83: {  	[hbm4b:s0+s13] =	stream.strided.scatter [tilespmem:s14], [sflag:$0x4], $0x8000, s12, s13, $0x38;
	[tilespmem:$0x15000] =	vst v63  }
0x84: {  	s18 =	simm.s32 $0x20;
	_ =	swait.ge [sflag:s17], $0x2000  }
0x85: {  	s19 =	simm.s32 $0x0;
	v2 =	vor.u32 s18, v1;
	[sflag:s17] =	ssyncset.done $0x0  }
0x86: {  	v3 =	vor.u32 s19, v1;
	s0 =	simm.s32 @!p1 $0x5;
	[sflag:s17] =	ssyncadd.s32 $0xFFFFE000  }
0x87: {  	s21 =	simm.s32 $0x10;
	_ =	swait.ge @!p1 [sflag:s0], $0x8000  }
0x88: {  	s20 =	simm.s32 $0x30;
	v5 =	vor.u32 s21, v1;
	[sflag:s0] =	ssyncset.done @!p1 $0x0  }
0x89: {  	v4 =	vor.u32 s20, v1;
	[sflag:s0] =	ssyncadd.s32 @!p1 $0xFFFF8000  }
0x8a: {  	v6 =	vld.idx.msk [tilespmem:v2+s16+$0x0], $0xffff  }
0x8b: {  	v3 =	vld.idx.msk [tilespmem:v3+s16+$0x0], $0xffff;
	_ =	sdelay $0x1  }
0x8c: {  	v5 =	vld.idx.msk [tilespmem:v5+s16+$0x0], $0xffff  }
0x8d: {  	v4 =	vld.idx.msk [tilespmem:v4+s16+$0x0], $0xffff  }
0x8e: {  	v7 =	vadd.s32 v0, v6  }
0x8f: {  	v8 =	vadd.s32 v0, v3;
	_ =	sdelay $0x1  }
0x90: {  	v2 =	vadd.s32 v0, v5  }
0x91: {  	s0 =	simm.s32 $0x70;
	v9 =	vadd.s32 v0, v4  }
0x92: {  	s23 =	simm.s32 $0x60;
	v12 =	vor.u32 s0, v1;
	v10 =	vld.idx.msk [tilespmem:v7+s3+$0x0], $0xffff  }
0x93: {  	s22 =	simm.s32 $0x0;
	v14 =	vor.u32 s23, v1;
	v13 =	vld.idx.msk [tilespmem:v8+s3+$0x0], $0xffff  }
0x94: {  	s24 =	sand.u32 $0x7E00, s22;
	v11 =	vadd.s32 $0x40, v7  }
0x95: {  	s25 =	sadd.s32 $0xD000, s24;
	s2 =	sand.u32 $0x60, s18;
	v6 =	vand.u32 $0x7F, v6;
	v15 =	vadd.s32 $0x40, v8;
	v19 =	vand.u32 $0xFFFFFF80, v7;
	v17 =	vld.idx.msk [tilespmem:v2+s3+$0x0], $0xffff  }
0x96: {  	s6 =	sand.u32 $0x40, s19;
	s26 =	simm.s32 $0x40;
	s10 =	sor.u32 s2, s25;
	v6 =	vor.u32 v6, v19;
	v19 =	vadd.s32 $0x40, v2;
	v16 =	vld.idx.msk [tilespmem:v9+s3+$0x0], $0xffff  }
0x97: {  	s6 =	sor.u32 s6, s25;
	v18 =	vor.u32 s26, v1;
	v12 =	vld.idx.msk [tilespmem:v12+s16+$0x0], $0xffff;
	[tilespmem:s10+$0x0] =	vst v10  }
0x98: {  	s8 =	sand.u32 $0x50, s21;
	[tilespmem:s6+$0x0] =	vst v13;
	v13 =	vld.idx.msk [tilespmem:v14+s16+$0x0], $0xffff  }
0x99: {  	s28 =	simm.s32 $0x50;
	s7 =	sand.u32 $0x70, s20;
	s8 =	sor.u32 s8, s25;
	v3 =	vand.u32 $0x7F, v3;
	v20 =	vadd.s32 $0x40, v9;
	v11 =	vld.idx.msk [tilespmem:v11+s3+$0x0], $0xffff  }
0x9a: {  	s9 =	sor.u32 s7, s25;
	v5 =	vand.u32 $0x7F, v5;
	v10 =	vor.u32 s28, v1;
	v14 =	vand.u32 $0xFFFFFF80, v8;
	[tilespmem:s8+$0x0] =	vst v17;
	v15 =	vld.idx.msk [tilespmem:v15+s3+$0x0], $0xffff  }
0x9b: {  	v6 =	vadd.s32 $0x80, v6;
	[tilespmem:s9+$0x0] =	vst v16;
	v17 =	vand.u32 $0xFFFFFF80, v2;
	v3 =	vor.u32 v3, v14;
	v16 =	vld.idx.msk [tilespmem:v19+s3+$0x0], $0xffff  }
0x9c: {  	v14 =	vld.idx.msk [tilespmem:v18+s16+$0x0], $0xffff;
	v5 =	vor.u32 v5, v17;
	v18 =	vadd.s32 $0x80, v3  }
0x9d: {  	v5 =	vadd.s32 $0x80, v5  }
0x9e: {  	s5 =	sand.u32 $0x7, s22;
	v19 =	vld.idx.msk [tilespmem:v20+s3+$0x0], $0xffff;
	v3 =	vadd.s32 v0, v13;
	[tilespmem:s10+$0x80] =	vst v11  }
0x9f: {  	s13 =	sshll.u32 s5, $0x4;
	s5 =	simm.s32 $0xB0;
	v10 =	vld.idx.msk [tilespmem:v10+s16+$0x0], $0xffff;
	v11 =	vadd.s32 v0, v12;
	[tilespmem:s6+$0x80] =	vst v15  }
0xa0: {  	v4 =	vand.u32 $0x7F, v4;
	v20 =	vand.u32 $0xFFFFFF80, v9;
	[tilespmem:s8+$0x80] =	vst v16;
	v16 =	vor.u32 s5, v1;
	v6 =	vld.idx.msk [tilespmem:v6+s3+$0x0], $0xffff  }
0xa1: {  	v4 =	vor.u32 v4, v20;
	s10 =	sand.u32 $0x3, s22;
	v15 =	vadd.s32 v0, v14;
	v17 =	vld.idx.msk [tilespmem:v18+s3+$0x0], $0xffff  }
0xa2: {  	p1 =	por $0x0, $0x0;
	v4 =	vadd.s32 $0x80, v4;
	s6 =	simm.s32 $0x1;
	s7 =	sshll.u32 s10, $0x5;
	v24 =	vld.idx.msk [tilespmem:v5+s3+$0x0], $0xffff  }
0xa3: {  	s30 =	simm.s32 $0xA0;
	v7 =	vadd.s32 $0xC0, v7;
	s6 =	simm.s32 @!p1 $0x0;
	s11 =	sadd.s32 $0x0, s7;
	v21 =	vld.idx.msk [tilespmem:v3+s3+$0x0], $0xffff  }
0xa4: {  	[tilespmem:s9+$0x80] =	vst v19;
	v19 =	vor.u32 s30, v1;
	s6 =	sshll.u32 s6, $0x6;
	s7 =	sadd.s32 $0x20, s11;
	v20 =	vld.idx.msk [tilespmem:v11+s3+$0x0], $0xffff  }
0xa5: {  	s6 =	sadd.s32 $0x0, s6;
	v18 =	vadd.s32 v0, v10;
	s12 =	sor.u32 $0x100, s7;
	v16 =	vld.idx.msk [tilespmem:v16+s16+$0x0], $0xffff  }
0xa6: {  	s14 =	simm.s32 $0x100;
	v22 =	vadd.s32 $0x40, v3;
	s18 =	sor.u32 $0x100, s6;
	[tilespmem:s12+$0xD000] =	vst v6;
	v6 =	vadd.s32 $0xC0, v8;
	v8 =	vld.idx.msk [tilespmem:v15+s3+$0x0], $0xffff  }
0xa7: {  	s21 =	sand.u32 $0x50, s28;
	s17 =	sand.u32 $0x7E00, s14;
	[tilespmem:s18+$0xD000] =	vst v17;
	v17 =	vld.idx.msk [tilespmem:v4+s3+$0x0], $0xffff  }
0xa8: {  	s1 =	sand.u32 $0x60, s23;
	v13 =	vand.u32 $0x7F, v13;
	s8 =	sadd.s32 $0xD000, s17;
	s22 =	sadd.s32 $0x0, s13;
	v27 =	vadd.s32 $0x40, v11;
	v4 =	vand.u32 $0xFFFFFF80, v3;
	v7 =	vld.idx.msk [tilespmem:v7+s3+$0x0], $0xffff  }
0xa9: {  	s19 =	simm.s32 $0x80;
	v5 =	vadd.s32 $0x40, v15;
	s20 =	sor.u32 s1, s8;
	s28 =	sadd.s32 $0x10, s22;
	v13 =	vor.u32 v13, v4;
	v4 =	vld.idx.msk [tilespmem:v19+s16+$0x0], $0xffff  }
0xaa: {  	v25 =	vor.u32 s19, v1;
	s14 =	sand.u32 $0x70, s0;
	s18 =	sor.u32 $0x100, s28;
	v23 =	vld.idx.msk [tilespmem:v18+s3+$0x0], $0xffff;
	[tilespmem:s20+$0x0] =	vst v21  }
0xab: {  	s4 =	sand.u32 $0x40, s26;
	s23 =	simm.s32 $0x90;
	v29 =	vadd.s32 $0xC0, v2;
	s9 =	sor.u32 s14, s8;
	[tilespmem:s18+$0xD000] =	vst v24;
	v22 =	vld.idx.msk [tilespmem:v22+s3+$0x0], $0xffff  }
0xac: {  	s31 =	simm.s32 $0x2;
	s0 =	sor.u32 s4, s8;
	[tilespmem:s9+$0x0] =	vst v20;
	v21 =	vld.idx.msk [tilespmem:v6+s3+$0x0], $0xffff;
	v6 =	vor.u32 s23, v1  }
0xad: {  	s25 =	simm.s32 $0x4;
	v26 =	vadd.s32 $0xC0, v9;
	v12 =	vand.u32 $0x7F, v12;
	s17 =	sadd.s32 $0x30, s22;
	p1 =	por !p1, !p1;
	v9 =	vadd.s32 $0x40, v18;
	[tilespmem:s0+$0x0] =	vst v8;
	v24 =	vld.idx.msk [tilespmem:v27+s3+$0x0], $0xffff  }
0xae: {  	v14 =	vand.u32 $0x7F, v14;
	s4 =	simm.s32 $0x1;
	s26 =	sor.u32 s21, s8;
	s22 =	sor.u32 $0x180, s28;
	v8 =	vadd.s32 $0x80, v13;
	v13 =	vand.u32 $0xFFFFFF80, v11;
	v28 =	vld.idx.msk [tilespmem:v5+s3+$0x0], $0xffff  }
0xaf: {  	s1 =	sor.u32 $0x100, s17;
	s4 =	simm.s32 @!p1 $0x0;
	s7 =	sor.u32 $0x180, s7;
	v10 =	vand.u32 $0x7F, v10;
	v19 =	vand.u32 $0xFFFFFF80, v15;
	v5 =	vor.u32 v12, v13;
	v12 =	vld.idx.msk [tilespmem:v25+s16+$0x0], $0xffff  }
0xb0: {  	s24 =	sor.u32 $0x180, s17;
	s10 =	sor.u32 $0x180, s6;
	s6 =	sand.u32 $0x7, s25;
	v2 =	vor.u32 v14, v19;
	v20 =	vadd.s32 v0, v16;
	v14 =	vand.u32 $0x7F, v16;
	v27 =	vld.idx.msk [tilespmem:v29+s3+$0x0], $0xffff;
	[tilespmem:s7+$0xD000] =	vst v7  }
0xb1: {  	p1 =	por !p1, !p1;
	s11 =	sand.u32 $0x70, s5;
	s6 =	sshll.u32 s6, $0x4;
	v7 =	vand.u32 $0xFFFFFF80, v18;
	v13 =	vadd.s32 $0x80, v2;
	v2 =	vadd.s32 $0xC0, v11;
	[tilespmem:s26+$0x0] =	vst v23;
	v23 =	vld.idx.msk [tilespmem:v6+s16+$0x0], $0xffff  }
0xb2: {  	s28 =	sshll.u32 s4, $0x6;
	s4 =	simm.s32 $0x8;
	s14 =	sadd.s32 $0x100, s6;
	v25 =	vadd.s32 $0xC0, v3;
	v3 =	vadd.s32 $0xC0, v20;
	v5 =	vadd.s32 $0x80, v5;
	v11 =	vld.idx.msk [tilespmem:v9+s3+$0x0], $0xffff;
	[tilespmem:s20+$0x80] =	vst v22  }
0xb3: {  	s12 =	sand.u32 $0x50, s23;
	s17 =	sadd.s32 $0x100, s28;
	s21 =	sadd.s32 $0x30, s14;
	[tilespmem:s1+$0xD000] =	vst v17;
	v9 =	vadd.s32 $0x40, v20;
	v6 =	vor.u32 v10, v7;
	v22 =	vld.idx.msk [tilespmem:v8+s3+$0x0], $0xffff;
	v8 =	vadd.s32 v0, v4  }
0xb4: {  	s18 =	sand.u32 $0x3, s31;
	s13 =	sor.u32 $0x100, s21;
	s5 =	sor.u32 $0x180, s17;
	v7 =	vadd.s32 $0xC0, v15;
	v15 =	vand.u32 $0xFFFFFF80, v20;
	[tilespmem:s10+$0xD000] =	vst v21;
	v63 =	vadd.s32 v0, v12  }
0xb5: {  	s7 =	sand.u32 $0x40, s19;
	s19 =	sadd.s32 $0x10, s14;
	v19 =	vld.idx.msk [tilespmem:v26+s3+$0x0], $0xffff;
	s20 =	sshll.u32 s18, $0x5;
	v10 =	vadd.s32 $0x80, v6;
	v6 =	vadd.s32 $0xC0, v18;
	[tilespmem:s0+$0x80] =	vst v28;
	v14 =	vor.u32 v14, v15  }
0xb6: {  	s23 =	sor.u32 $0x100, s17;
	s8 =	sor.u32 $0x100, s19;
	s25 =	sadd.s32 $0x100, s20;
	[tilespmem:s9+$0x80] =	vst v24;
	v12 =	vand.u32 $0x7F, v12;
	v18 =	vld.idx.msk [tilespmem:v13+s3+$0x0], $0xffff;
	v17 =	vand.u32 $0xFFFFFF80, v63;
	v21 =	vadd.s32 v0, v23  }
0xb7: {  	s29 =	sor.u32 $0x180, s19;
	s19 =	simm.s32 $0x8;
	v16 =	vld.idx.msk [tilespmem:v20+s3+$0x0], $0xffff;
	[tilespmem:s22+$0xD000] =	vst v27;
	s1 =	sadd.s32 $0x20, s25;
	v15 =	vadd.s32 $0x80, v14;
	v14 =	vadd.s32 $0x40, v63;
	v12 =	vor.u32 v12, v17  }
0xb8: {  	s28 =	sand.u32 $0x7, s19;
	s10 =	simm.s32 $0x1;
	v17 =	vadd.s32 $0xC0, v63;
	[tilespmem:s26+$0x80] =	vst v11;
	s26 =	sor.u32 $0x100, s1;
	v20 =	vand.u32 $0x7F, v23;
	v23 =	vld.idx.msk [tilespmem:v8+s3+$0x0], $0xffff;
	v11 =	vand.u32 $0xFFFFFF80, v21  }
0xb9: {  	s9 =	sshll.u32 s28, $0x4;
	s22 =	simm.s32 $0x200;
	s10 =	simm.s32 @!p1 $0x0;
	v12 =	vadd.s32 $0x80, v12;
	[tilespmem:s26+$0xD000] =	vst v22;
	v13 =	vadd.s32 $0x40, v21;
	v24 =	vld.idx.msk [tilespmem:v63+s3+$0x0], $0xffff;
	v11 =	vor.u32 v20, v11  }
0xba: {  	s0 =	sor.u32 $0x180, s21;
	s21 =	simm.s32 $0xF0;
	s2 =	sshll.u32 s10, $0x6;
	v20 =	vld.idx.msk [tilespmem:v25+s3+$0x0], $0xffff;
	v25 =	vadd.s32 $0x40, v8;
	v22 =	vadd.s32 $0x80, v11;
	v11 =	vadd.s32 $0xC0, v21  }
.LBB2_5:
0xbb: {  	s6 =	sadd.s32 $0xFFFFFFF0, s21;
	v26 =	vor.u32 s21, v1;
	s4 =	sadd.s32 $0x4, s4;
	s10 =	sand.u32 $0x7E00, s22;
	v21 =	vld.idx.msk [tilespmem:v21+s3+$0x0], $0xffff;
	[tilespmem:s23+$0xD000] =	vst v18  }
0xbc: {  	v18 =	vor.u32 s6, v1;
	p2 =	slt.u32 s4, $0x1FC;
	s14 =	sadd.s32 $0xD000, s10;
	s10 =	sand.u32 $0x60, s30;
	v27 =	vld.idx.msk [tilespmem:v10+s3+$0x0], $0xffff;
	[tilespmem:s24+$0xD000] =	vst v19;
	v10 =	vmov v22  }
0xbd: {  	s17 =	sadd.s32 $0xFFFFFFD0, s21;
	s18 =	sadd.s32 $0xFFFFFFE0, s21;
	s20 =	sor.u32 s10, s14;
	v19 =	vld.idx.msk [tilespmem:v5+s3+$0x0], $0xffff;
	v5 =	vmov v15  }
0xbe: {  	s23 =	sor.u32 $0x180, s1;
	v22 =	vor.u32 s18, v1;
	s18 =	sand.u32 $0x50, s18;
	v15 =	vor.u32 s17, v1;
	s17 =	sand.u32 $0x40, s17;
	[tilespmem:s20+$0x0] =	vst v23;
	v23 =	vld.idx.msk [tilespmem:v7+s3+$0x0], $0xffff;
	v7 =	vmov v17  }
0xbf: {  	v4 =	vand.u32 $0x7F, v4;
	s24 =	sand.u32 $0x70, s21;
	s1 =	sor.u32 s7, s14;
	s10 =	sor.u32 s12, s14;
	v17 =	vld.idx.msk [tilespmem:v25+s3+$0x0], $0xffff;
	v25 =	vand.u32 $0xFFFFFF80, v8;
	[tilespmem:s23+$0xD000] =	vst v20  }
0xc0: {  	s2 =	sadd.s32 s2, s22;
	s7 =	sadd.s32 s22, s9;
	s9 =	sor.u32 s11, s14;
	v20 =	vld.idx.msk [tilespmem:v26+s16+$0x0], $0xffff;
	[tilespmem:s1+$0x0] =	vst v24;
	v24 =	vor.u32 v4, v25  }
0xc1: {  	s11 =	sadd.s32 $0x10, s7;
	s7 =	sadd.s32 $0x30, s7;
	s23 =	sor.u32 $0x100, s2;
	v4 =	vld.idx.msk [tilespmem:v18+s16+$0x0], $0xffff;
	[tilespmem:s10+$0x0] =	vst v21;
	v18 =	vadd.s32 $0x80, v24  }
0xc2: {  	s14 =	sor.u32 $0x100, s11;
	s25 =	sor.u32 $0x180, s11;
	s26 =	sor.u32 $0x100, s7;
	v14 =	vld.idx.msk [tilespmem:v14+s3+$0x0], $0xffff;
	[tilespmem:s9+$0x0] =	vst v16  }
0xc3: {  	s30 =	smov.u32 s6;
	s2 =	sor.u32 $0x180, s2;
	s28 =	sor.u32 $0x180, s7;
	v15 =	vld.idx.msk [tilespmem:v15+s16+$0x0], $0xffff;
	[tilespmem:s8+$0xD000] =	vst v27  }
0xc4: {  	s12 =	smov.u32 s18;
	s7 =	smov.u32 s17;
	s11 =	smov.u32 s24;
	v16 =	vld.idx.msk [tilespmem:v22+s16+$0x0], $0xffff;
	[tilespmem:s13+$0xD000] =	vst v19  }
0xc5: {  	s18 =	smov.u32 s29;
	s29 =	smov.u32 s25;
	s8 =	smov.u32 s14;
	v22 =	vld.idx.msk [tilespmem:v13+s3+$0x0], $0xffff;
	[tilespmem:s20+$0x80] =	vst v17  }
0xc6: {  	s31 =	sadd.s32 $0x2, s31;
	s13 =	smov.u32 s26;
	v17 =	vadd.s32 v0, v20;
	v13 =	vand.u32 $0x7F, v20;
	v20 =	vld.idx.msk [tilespmem:v18+s3+$0x0], $0xffff;
	[tilespmem:s5+$0xD000] =	vst v23;
	s5 =	smov.u32 s2  }
0xc7: {  	s24 =	smov.u32 s0;
	s0 =	smov.u32 s28;
	v23 =	vadd.s32 v0, v4;
	v18 =	vand.u32 $0xFFFFFF80, v17;
	s2 =	sand.u32 $0x3, s31;
	v24 =	vld.idx.msk [tilespmem:v9+s3+$0x0], $0xffff;
	v9 =	vadd.s32 $0x40, v17  }
0xc8: {  	v26 =	vadd.s32 $0xC0, v8;
	v25 =	vadd.s32 $0xC0, v17;
	v13 =	vor.u32 v13, v18;
	s2 =	sshll.u32 s2, $0x5;
	v8 =	vmovc v23;
	[tilespmem:s1+$0x80] =	vst v14;
	v27 =	vld.idx.msk [tilespmem:v6+s3+$0x0], $0xffff  }
0xc9: {  	v28 =	vadd.s32 v0, v15;
	v29 =	vand.u32 $0x7F, v15;
	v15 =	vadd.s32 $0x80, v13;
	s1 =	sadd.s32 s22, s2;
	v6 =	vmovc v11;
	v18 =	vld.idx.msk [tilespmem:v12+s3+$0x0], $0xffff  }
.Ltmp1:
0xca: {  	v14 =	vadd.s32 $0x40, v28;
	v11 =	vand.u32 $0xFFFFFF80, v28;
	v21 =	vadd.s32 v0, v16;
	s1 =	sadd.s32 $0x20, s1;
	v19 =	vld.idx.msk [tilespmem:v2+s3+$0x0], $0xffff;
	v2 =	vmovc v3;
	v3 =	vmovc v25;
	(pc) =	sbr.rel @p2 .LBB2_5-.Ltmp1, $4  }
0xcb: {  	p1 =	por !p1, !p1;
	s6 =	simm.s32 $0x1;
	v13 =	vadd.s32 $0x40, v21;
	v12 =	vand.u32 $0xFFFFFF80, v21;
	v25 =	vand.u32 $0x7F, v16;
	s2 =	sor.u32 $0x100, s1;
	v16 =	vld.idx.msk [tilespmem:v17+s3+$0x0], $0xffff;
	[tilespmem:s10+$0x80] =	vst v22  }
0xcc: {  	s19 =	sadd.s32 $0x4, s19;
	s6 =	simm.s32 @!p1 $0x0;
	v11 =	vor.u32 v29, v11;
	v17 =	vadd.s32 $0xC0, v28;
	v22 =	vor.u32 v25, v12;
	v23 =	vld.idx.msk [tilespmem:v23+s3+$0x0], $0xffff;
	[tilespmem:s2+$0xD000] =	vst v20  }
0xcd: {  	s10 =	sand.u32 $0x7, s19;
	v12 =	vadd.s32 $0x80, v11;
	v11 =	vadd.s32 $0xC0, v21;
	s2 =	sshll.u32 s6, $0x6;
	v22 =	vadd.s32 $0x80, v22;
	v20 =	vld.idx.msk [tilespmem:v26+s3+$0x0], $0xffff;
	[tilespmem:s9+$0x80] =	vst v24  }
0xce: {  	s21 =	sadd.s32 $0x40, s21;
	s22 =	sadd.s32 $0x100, s22;
	v25 =	vadd.s32 $0x40, v8;
	s9 =	sshll.u32 s10, $0x4;
	v24 =	vld.idx.msk [tilespmem:v28+s3+$0x0], $0xffff;
	[tilespmem:s18+$0xD000] =	vst v27  }
0xcf: {  	_ =	sdelay $0x3  }
0xd0: {  	s4 =	sand.u32 $0x7E00, s22;
	v21 =	vld.idx.msk [tilespmem:v21+s3+$0x0], $0xffff  }
0xd1: {  	[tilespmem:s23+$0xD000] =	vst v18;
	s6 =	sand.u32 $0x60, s30;
	s4 =	sadd.s32 $0xD000, s4  }
0xd2: {  	[tilespmem:s24+$0xD000] =	vst v19;
	s6 =	sor.u32 s6, s4  }
0xd3: {  	v10 =	vld.idx.msk [tilespmem:v10+s3+$0x0], $0xffff;
	v56 =	vand.u32 $0xFFFFFF80, v8;
	v4 =	vand.u32 $0x7F, v4;
	s7 =	sor.u32 s7, s4;
	[tilespmem:s6+$0x0] =	vst v23  }
0xd4: {  	v4 =	vor.u32 v4, v56;
	s10 =	sor.u32 s12, s4;
	v57 =	vld.idx.msk [tilespmem:v25+s3+$0x0], $0xffff;
	[tilespmem:s7+$0x0] =	vst v24  }
0xd5: {  	s4 =	sor.u32 s11, s4;
	v4 =	vadd.s32 $0x80, v4;
	[tilespmem:s10+$0x0] =	vst v21;
	v14 =	vld.idx.msk [tilespmem:v14+s3+$0x0], $0xffff  }
0xd6: {  	s1 =	sor.u32 $0x180, s1;
	[tilespmem:s4+$0x0] =	vst v16;
	v13 =	vld.idx.msk [tilespmem:v13+s3+$0x0], $0xffff  }
0xd7: {  	[tilespmem:s1+$0xD000] =	vst v20;
	v9 =	vld.idx.msk [tilespmem:v9+s3+$0x0], $0xffff  }
0xd8: {  	v5 =	vld.idx.msk [tilespmem:v5+s3+$0x0], $0xffff;
	[tilespmem:s8+$0xD000] =	vst v10  }
0xd9: {  	v7 =	vld.idx.msk [tilespmem:v7+s3+$0x0], $0xffff;
	s12 =	sadd.s32 $0x2, s31;
	[tilespmem:s6+$0x80] =	vst v57  }
0xda: {  	s1 =	sand.u32 $0x3, s12;
	[tilespmem:s7+$0x80] =	vst v14;
	v4 =	vld.idx.msk [tilespmem:v4+s3+$0x0], $0xffff  }
0xdb: {  	v58 =	vadd.s32 $0xC0, v8;
	s1 =	sshll.u32 s1, $0x5;
	[tilespmem:s10+$0x80] =	vst v13;
	v59 =	vld.idx.msk [tilespmem:v12+s3+$0x0], $0xffff  }
0xdc: {  	s1 =	sadd.s32 s22, s1;
	[tilespmem:s4+$0x80] =	vst v9;
	v60 =	vld.idx.msk [tilespmem:v22+s3+$0x0], $0xffff  }
0xdd: {  	[tilespmem:s13+$0xD000] =	vst v5;
	s1 =	sadd.s32 $0x20, s1;
	v61 =	vld.idx.msk [tilespmem:v15+s3+$0x0], $0xffff  }
0xde: {  	s2 =	sadd.s32 s2, s22;
	s13 =	sadd.s32 s22, s9;
	[tilespmem:s5+$0xD000] =	vst v7;
	v6 =	vld.idx.msk [tilespmem:v6+s3+$0x0], $0xffff;
	s14 =	sor.u32 $0x100, s1  }
0xdf: {  	s17 =	sor.u32 $0x100, s2;
	s18 =	sadd.s32 $0x10, s13;
	v2 =	vld.idx.msk [tilespmem:v2+s3+$0x0], $0xffff;
	[tilespmem:s14+$0xD000] =	vst v4  }
0xe0: {  	s19 =	sor.u32 $0x100, s18;
	s4 =	sadd.s32 $0x30, s13;
	[tilespmem:s17+$0xD000] =	vst v59;
	v4 =	vld.idx.msk [tilespmem:v58+s3+$0x0], $0xffff  }
0xe1: {  	s20 =	sor.u32 $0x100, s4;
	[tilespmem:s19+$0xD000] =	vst v60;
	v62 =	vld.idx.msk [tilespmem:v17+s3+$0x0], $0xffff  }
0xe2: {  	s7 =	rddreg [dreg:$0xd];
	[tilespmem:s20+$0xD000] =	vst v61;
	v63 =	vld.idx.msk [tilespmem:v11+s3+$0x0], $0xffff  }
0xe3: {  	[tilespmem:s29+$0xD000] =	vst v6;
	s7 =	sadd.s32 @!p0 $0x3, s7;
	v3 =	vld.idx.msk [tilespmem:v3+s3+$0x0], $0xffff  }
0xe4: {  	s1 =	sor.u32 $0x180, s1;
	[tilespmem:s0+$0xD000] =	vst v2;
	s6 =	sshll.u32 @!p0 s7, $0x7;
	s7 =	sshll.u32 @!p0 s7, $0xE  }
0xe5: {  	s21 =	sor.u32 $0x180, s2;
	s6 =	sand.u32 @!p0 $0x380, s6;
	s7 =	sand.u32 @!p0 $0x7E0000, s7;
	[tilespmem:s1+$0xD000] =	vst v4  }
0xe6: {  	s22 =	sor.u32 $0x180, s18;
	s0 =	sor.u32 @!p0 s7, s6;
	s2 =	rddreg [dreg:$0x5];
	[tilespmem:s21+$0xD000] =	vst v62  }
0xe7: {  	s23 =	sor.u32 $0x180, s4;
	s4 =	simm.s32 @!p0 $0x3000;
	s0 =	sor.u32 @!p0 s2, s0;
	[tilespmem:s22+$0xD000] =	vst v63  }
0xe8: {  	s1 =	simm.s32 @!p0 $0x80;
	s2 =	rddreg [dreg:$0x0];
	s0 =	sshrl.u32 @!p0 s0, $0x3;
	[tilespmem:s23+$0xD000] =	vst v3  }
0xe9: {  	s0 =	sadd.s32 @!p0 s2, s0;
	s2 =	simm.s32 @!p0 $0x400;
	s31 =	rddreg [dreg:$0xc]  }
0xea: {  	[tilespmem:s4], [sflag:$0x3] =	stream.strided.gather @!p0 [hbm4b:s0+s1], $0x2000, s2, s1, $0x38;
	[tilespmem:$0x15000] =	vst v63  }
0xeb: {  	s24 =	rddreg [dreg:$0x9];
	s6 =	sadd.s32 $0x1, s31  }
0xec: {  	s25 =	rddreg [dreg:$0xe];
	p0 =	sne.s32 s6, $0x64  }
.Ltmp2:
0xed: {  	s0 =	sor.u32 s25, s24;
	(pc) =	sbr.rel @p0 .LBB2_2-.Ltmp2, $4  }
0xee: {  	s0 =	sshrl.u32 s0, $0x3  }
0xef: {  	s26 =	rddreg [dreg:$0x2];
	s28 =	simm.s32 $0x400;
	s0 =	sor.u32 $0x20000, s0  }
0xf0: {  	s30 =	simm.s32 $0xD000;
	s29 =	simm.s32 $0x200;
	s0 =	sadd.s32 s26, s0  }
0xf1: {  	[hbm4b:s0+s29] =	stream.strided.scatter [tilespmem:s30], [sflag:$0x5], $0x8000, s28, s29, $0x38;
	[tilespmem:$0x15000] =	vst v63  }
0xf2: {  	s0 =	simm.s32 $0x4  }
0xf3: {  	_ =	swait.ge [sflag:s0], $0x8000  }
0xf4: {  	[sflag:s0] =	ssyncset.done $0x0  }
0xf5: {  	s1 =	simm.s32 $0x5;
	[sflag:s0] =	ssyncadd.s32 $0xFFFF8000  }
0xf6: {  	_ =	swait.ge [sflag:s1], $0x8000  }
0xf7: {  	s2 =	rddreg [dreg:$0xb]  }
0xf8: {  	s31 =	rddreg [dreg:$0xa];
	s2 =	sadd.s32 $0x1, s2  }
0xf9: {  	p0 =	sne.s32 s2, s31  }
.Ltmp3:
0xfa: {  	_ = 	snop;
	(pc) =	sbr.rel @p0 .LBB2_1-.Ltmp3, $3  }
0xfb: {  	_ =	sdelay $0x1  }
0xfc: {  	[sflag:s1] =	ssyncset.done $0x0  }
0xfd: {  	[sflag:s1] =	ssyncadd.s32 $0xFFFF8000  }
0xfe: {  	_ =	sfence.sel $0x180000  }
0xff: {  	[bflag:$0x0] =	sbarrier.arrive $0xFFFF  }
0x100: {  	_ =	strace $0x90000047  }
0x101: {  	s0 =	stileid.u32;
	[bflag:$0x2] =	sbarrier.arrive $0xFFFF  }
0x102: {  	p0 =	sne.s32 s0, $0x0;
	s0 =	rddreg [dreg:$0x3]  }
0x103: {  	s0 =	sadd.s32 @!p0 $0x100000, s0  }
0x104: {  	[sflag:s0] =	ssyncadd.tile.s32 @!p0 $0x1;
	_ =	shalt  }
.Lfunc_end2:
_tile_overlayer_lowered:
.L_overlay_start_2:
0x105: {  	(tag) =	ssettag $0x2  }
0x106: {  	s0 =	rddreg [dreg:$0x0];
	s2 =	stileid.u32  }
0x107: {  	s1 =	rddreg [dreg:$0x1];
	p0 =	sne.s32 s2, $0x0  }
0x108: {  	s3 =	rddreg [dreg:$0x2];
	[bflag:$0x3] =	sbarrier.arrive $0xFFFF;
	s2 =	simm.s32 @!p0 $0x1C06  }
0x109: {  	[timem:s3], [sflag:s2] =	dma.local @!p0 [hbm:s0], s1  }
0x10a: {  	s0 =	simm.s32 @!p0 $0x6  }
0x10b: {  	_ =	swait.ge @!p0 [sflag:s0], s1  }
0x10c: {  	s1 =	ssub.s32 @!p0 $0x0, s1;
	[sflag:s0] =	ssyncset.done @!p0 $0x0  }
0x10d: {  	[sflag:s0] =	ssyncadd.s32 @!p0 s1  }
0x10e: {  	[bflag:$0x3] =	sbarrier.arrive $0xFFFF  }
0x10f: {  	_ =	shalt  }

</sc_bundles>
